<compile_context>
chip_gen: v7x
topology: tpu7x:2x2x1
jax: 0.10.2.dev20260603
libtpu: 0.0.44.dev20260713+nightly
codegen_flags: <defaults>
</compile_context>

<pallas_src>
import functools

import jax
import jax.numpy as jnp
from jax import lax
from jax.experimental import pallas as pl
from jax.experimental.pallas import tpu as pltpu
from jax.experimental.pallas import tpu_sc as plsc

_ROWS = 16384
_OUT_SIZE = 1024
_IN_COLS = 128
_ZCOLS = _OUT_SIZE - _IN_COLS
_NW = 32
_RPW = _ROWS // _NW
_CHUNK = 128
_NCHUNK = _RPW // _CHUNK
_ZROWS = 32
_NZ = _RPW // _ZROWS


def _sc_body(x_hbm, w_hbm, out_hbm, xa, xb, oa, ob, z_v, w_v,
             rsa, rsb, wsa, wsb, zsem):
    wid = lax.axis_index("c") * 16 + lax.axis_index("s")
    base = wid * _RPW

    def x_src(c):
        return x_hbm.at[pl.ds(base + c * _CHUNK, _CHUNK), pl.ds(0, _IN_COLS)]

    xbufs, obufs = [xa, xb], [oa, ob]
    rsems, wsems = [rsa, rsb], [wsa, wsb]
    reads = [None, None]
    writes = [None, None]

    reads[0] = pltpu.async_copy(x_src(0), xbufs[0], rsems[0])
    reads[1] = pltpu.async_copy(x_src(1), xbufs[1], rsems[1])

    pltpu.sync_copy(w_hbm, w_v)

    zeros16 = jnp.zeros((16,), jnp.float32)

    def zrow(r, _):
        for j in range(_ZCOLS // 16):
            z_v[r, pl.ds(j * 16, 16)] = zeros16
        return 0

    lax.fori_loop(0, _ZROWS, zrow, 0)

    zwrites = [
        pltpu.async_copy(
            z_v,
            out_hbm.at[pl.ds(base + c * _ZROWS, _ZROWS), pl.ds(_IN_COLS, _ZCOLS)],
            zsem)
        for c in range(_NZ)
    ]

    def orow(r, _):
        for j in range(4):
            oa[r, pl.ds(64 + j * 16, 16)] = zeros16
            ob[r, pl.ds(64 + j * 16, 16)] = zeros16
        return 0

    lax.fori_loop(0, _CHUNK, orow, 0)

    w0 = [w_v[pl.ds(j * 16, 16)] for j in range(4)]
    w1 = [w_v[pl.ds(64 + j * 16, 16)] for j in range(4)]

    def compute(x_v, o_v):
        def row_body(r, _):
            for j in range(4):
                a = x_v[r, pl.ds(j * 16, 16)] * w0[j]
                b = x_v[r, pl.ds(64 + j * 16, 16)] * w1[j]
                o_v[r, pl.ds(j * 16, 16)] = a + b
            return 0
        lax.fori_loop(0, _CHUNK, row_body, 0)

    for c in range(_NCHUNK):
        b = c & 1
        reads[b].wait()
        if writes[b] is not None:
            writes[b].wait()
        compute(xbufs[b], obufs[b])
        writes[b] = pltpu.async_copy(
            obufs[b],
            out_hbm.at[pl.ds(base + c * _CHUNK, _CHUNK), pl.ds(0, _IN_COLS)],
            wsems[b])
        if c + 2 < _NCHUNK:
            reads[b] = pltpu.async_copy(x_src(c + 2), xbufs[b], rsems[b])
    writes[0].wait()
    writes[1].wait()
    for zw in zwrites:
        zw.wait()


def kernel(x, weights):
    w_flat = weights.reshape(_IN_COLS)
    mesh = plsc.VectorSubcoreMesh(core_axis_name="c", subcore_axis_name="s")
    run = functools.partial(
        pl.kernel,
        mesh=mesh,
        out_type=jax.ShapeDtypeStruct((_ROWS, _OUT_SIZE), jnp.float32),
        scratch_types=[
            pltpu.VMEM((_CHUNK, _IN_COLS), jnp.float32),
            pltpu.VMEM((_CHUNK, _IN_COLS), jnp.float32),
            pltpu.VMEM((_CHUNK, _IN_COLS), jnp.float32),
            pltpu.VMEM((_CHUNK, _IN_COLS), jnp.float32),
            pltpu.VMEM((_ZROWS, _ZCOLS), jnp.float32),
            pltpu.VMEM((_IN_COLS,), jnp.float32),
            pltpu.SemaphoreType.DMA,
            pltpu.SemaphoreType.DMA,
            pltpu.SemaphoreType.DMA,
            pltpu.SemaphoreType.DMA,
            pltpu.SemaphoreType.DMA,
        ],
    )(_sc_body)
    return run(x, w_flat)

# --- scband reference (transcript-rebuilt; emitter-appended) ---
"""Pipeline reference for scband-custom-dense-layer-74406013436176 (READ-ONLY COPY).

The authoritative reference and input builder live on the scoring server;
editing this copy changes nothing except your own understanding.
"""

import jax
import jax.numpy as jnp
import numpy as np

INPUT_SIZE = 1024
OUTPUT_SIZE = 1024
N_CONN = 128
CONNECTIONS = np.array([[i, i % 64] for i in range(N_CONN)], dtype=np.int64)


def setup_inputs(seed: int = 0) -> dict:
    key = jax.random.key(seed)
    x = jax.random.normal(key, (16384, INPUT_SIZE), dtype=jnp.float32)
    # frozen parameter from init_kwargs: initial_weights = [0.5]*128, viewed as (-1, 1)
    weights = jnp.full((N_CONN, 1), 0.5, dtype=jnp.float32)
    return {"x": x, "weights": weights}


def reference(x, weights):
    # Faithful translation of the torch loop:
    #   for (in_i, out_i), w in zip(connections, weights):
    #       output[:, out_i] += w.squeeze() * x[:, in_i]
    # Vectorized as a column gather followed by a column scatter-add.
    in_idx = jnp.asarray(CONNECTIONS[:, 0])
    out_idx = jnp.asarray(CONNECTIONS[:, 1])
    gathered = x[:, in_idx] * weights[:, 0][None, :]  # [B, N_CONN]
    output = jnp.zeros((x.shape[0], OUTPUT_SIZE), dtype=jnp.float32)
    output = output.at[:, out_idx].add(gathered)
    return output

if __name__ == "__main__":
    import jax
    _d = setup_inputs()
    print(jax.jit(kernel)(*tuple(_d.values())))

</pallas_src>

<mosaic_0001>
#map = affine_map<(d0, d1) -> (0, 0)>
#map1 = affine_map<(d0, d1) -> (0)>
module attributes {stable_mosaic.version = 14 : i64} {
  func.func @_sc_body(%arg0: i32, %arg1: i32, %arg2: memref<16384x1024xf32, #tpu.memory_space<hbm>>, %arg3: memref<128xf32, #tpu.memory_space<hbm>>, %arg4: memref<16384x1024xf32, #tpu.memory_space<hbm>>, %arg5: memref<128x128xf32, #tpu.memory_space<vmem>>, %arg6: memref<128x128xf32, #tpu.memory_space<vmem>>, %arg7: memref<128x128xf32, #tpu.memory_space<vmem>>, %arg8: memref<128x128xf32, #tpu.memory_space<vmem>>, %arg9: memref<32x896xf32, #tpu.memory_space<vmem>>, %arg10: memref<128xf32, #tpu.memory_space<vmem>>, %arg11: memref<!tpu.dma_semaphore, #tpu.memory_space<semaphore_mem>>, %arg12: memref<!tpu.dma_semaphore, #tpu.memory_space<semaphore_mem>>, %arg13: memref<!tpu.dma_semaphore, #tpu.memory_space<semaphore_mem>>, %arg14: memref<!tpu.dma_semaphore, #tpu.memory_space<semaphore_mem>>, %arg15: memref<!tpu.dma_semaphore, #tpu.memory_space<semaphore_mem>>) attributes {dimension_semantics = [#tpu.dimension_semantics<core_parallel>, #tpu.dimension_semantics<subcore_parallel>], iteration_bounds = array<i64: 2, 16>, scalar_prefetch = 0 : i64, scratch_operands = 11 : i64, tpu.core_type = #tpu.core_type<sc_vector_subcore>, window_params = [{transform_indices = #map}, {transform_indices = #map1}, {transform_indices = #map}]} {
    %mul3A = arith.constant 16 : i32
    %mul3A_0 = arith.muli %arg0, %mul3A : i32
    %add3A = arith.addi %mul3A_0, %arg1 : i32
    %mul3A_1 = arith.constant 512 : i32
    %mul3A_2 = arith.muli %add3A, %mul3A_1 : i32
    %add3A_3 = arith.constant 0 : i32
    %add3A_4 = arith.addi %mul3A_2, %add3A_3 : i32
    %dma_start3A = arith.constant 0 : i32
    %dma_start3A_5 = tpu.memref_slice %arg2[%add3A_4, %dma_start3A] : memref<16384x1024xf32, #tpu.memory_space<hbm>> -> memref<128x128xf32, #tpu.memory_space<hbm>>
    %dma_start3A_6 = arith.constant 0 : i32
    %dma_start3A_7 = tpu.memref_slice %arg2[%add3A_4, %dma_start3A_6] : memref<16384x1024xf32, #tpu.memory_space<hbm>> -> memref<128x128xf32, #tpu.memory_space<hbm>>
    tpu.enqueue_dma source(%dma_start3A_7 : memref<128x128xf32, #tpu.memory_space<hbm>>) target(%arg5 : memref<128x128xf32, #tpu.memory_space<vmem>>) target_semaphore(%arg11 : memref<!tpu.dma_semaphore, #tpu.memory_space<semaphore_mem>>)
    %add3A_8 = arith.constant 128 : i32
    %add3A_9 = arith.addi %mul3A_2, %add3A_8 : i32
    %dma_start3A_10 = arith.constant 0 : i32
    %dma_start3A_11 = tpu.memref_slice %arg2[%add3A_9, %dma_start3A_10] : memref<16384x1024xf32, #tpu.memory_space<hbm>> -> memref<128x128xf32, #tpu.memory_space<hbm>>
    %dma_start3A_12 = arith.constant 0 : i32
    %dma_start3A_13 = tpu.memref_slice %arg2[%add3A_9, %dma_start3A_12] : memref<16384x1024xf32, #tpu.memory_space<hbm>> -> memref<128x128xf32, #tpu.memory_space<hbm>>
    tpu.enqueue_dma source(%dma_start3A_13 : memref<128x128xf32, #tpu.memory_space<hbm>>) target(%arg6 : memref<128x128xf32, #tpu.memory_space<vmem>>) target_semaphore(%arg12 : memref<!tpu.dma_semaphore, #tpu.memory_space<semaphore_mem>>)
    "tpu.region"() ({
      %run_scoped3A = tpu.sem_alloc : memref<!tpu.dma_semaphore, #tpu.memory_space<semaphore_mem>>
      tpu.enqueue_dma source(%arg3 : memref<128xf32, #tpu.memory_space<hbm>>) target(%arg10 : memref<128xf32, #tpu.memory_space<vmem>>) target_semaphore(%run_scoped3A : memref<!tpu.dma_semaphore, #tpu.memory_space<semaphore_mem>>)
      tpu.wait_dma2 semaphore(%run_scoped3A : memref<!tpu.dma_semaphore, #tpu.memory_space<semaphore_mem>>) src(%arg3 : memref<128xf32, #tpu.memory_space<hbm>>) dst(%arg10 : memref<128xf32, #tpu.memory_space<vmem>>)
      tpu.yield
    }) : () -> ()
    %broadcast_in_dim3A = arith.constant 0.000000e+00 : f32
    %broadcast_in_dim3A_14 = vector.broadcast %broadcast_in_dim3A : f32 to vector<16xf32>
    %scan3A = arith.constant 0 : i32
    %scan3A_15 = arith.constant 0 : i32
    %scan3A_16 = arith.constant 32 : i32
    %scan3A_17 = arith.addi %scan3A_15, %scan3A_16 : i32
    %scan3A_18 = arith.constant 1 : i32
    %scan3A_19 = scf.for %scan3A_306 = %scan3A_15 to %scan3A_17 step %scan3A_18 iter_args(%scan3A_307 = %scan3A) -> (i32)  : i32 {
      %swap3A = arith.index_cast %scan3A_306 : i32 to index
      %swap3A_308 = arith.constant 0 : index
      %swap3A_309 = tpu.vector_load %arg9[%swap3A, %swap3A_308] {strides = array<i32>} : memref<32x896xf32, #tpu.memory_space<vmem>>, vector<1x16xf32>,
      %swap3A_310 = vector.shape_cast %swap3A_309 : vector<1x16xf32> to vector<16xf32>
      %swap3A_311 = vector.shape_cast %broadcast_in_dim3A_14 : vector<16xf32> to vector<1x16xf32>
      tpu.vector_store %arg9[%swap3A, %swap3A_308], %swap3A_311 {strides = array<i32>} : memref<32x896xf32, #tpu.memory_space<vmem>>, vector<1x16xf32>,
      %swap3A_312 = arith.index_cast %scan3A_306 : i32 to index
      %swap3A_313 = arith.constant 16 : index
      %swap3A_314 = tpu.vector_load %arg9[%swap3A_312, %swap3A_313] {strides = array<i32>} : memref<32x896xf32, #tpu.memory_space<vmem>>, vector<1x16xf32>,
      %swap3A_315 = vector.shape_cast %swap3A_314 : vector<1x16xf32> to vector<16xf32>
      %swap3A_316 = vector.shape_cast %broadcast_in_dim3A_14 : vector<16xf32> to vector<1x16xf32>
      tpu.vector_store %arg9[%swap3A_312, %swap3A_313], %swap3A_316 {strides = array<i32>} : memref<32x896xf32, #tpu.memory_space<vmem>>, vector<1x16xf32>,
      %swap3A_317 = arith.index_cast %scan3A_306 : i32 to index
      %swap3A_318 = arith.constant 32 : index
      %swap3A_319 = tpu.vector_load %arg9[%swap3A_317, %swap3A_318] {strides = array<i32>} : memref<32x896xf32, #tpu.memory_space<vmem>>, vector<1x16xf32>,
      %swap3A_320 = vector.shape_cast %swap3A_319 : vector<1x16xf32> to vector<16xf32>
      %swap3A_321 = vector.shape_cast %broadcast_in_dim3A_14 : vector<16xf32> to vector<1x16xf32>
      tpu.vector_store %arg9[%swap3A_317, %swap3A_318], %swap3A_321 {strides = array<i32>} : memref<32x896xf32, #tpu.memory_space<vmem>>, vector<1x16xf32>,
      %swap3A_322 = arith.index_cast %scan3A_306 : i32 to index
      %swap3A_323 = arith.constant 48 : index
      %swap3A_324 = tpu.vector_load %arg9[%swap3A_322, %swap3A_323] {strides = array<i32>} : memref<32x896xf32, #tpu.memory_space<vmem>>, vector<1x16xf32>,
      %swap3A_325 = vector.shape_cast %swap3A_324 : vector<1x16xf32> to vector<16xf32>
      %swap3A_326 = vector.shape_cast %broadcast_in_dim3A_14 : vector<16xf32> to vector<1x16xf32>
      tpu.vector_store %arg9[%swap3A_322, %swap3A_323], %swap3A_326 {strides = array<i32>} : memref<32x896xf32, #tpu.memory_space<vmem>>, vector<1x16xf32>,
      %swap3A_327 = arith.index_cast %scan3A_306 : i32 to index
      %swap3A_328 = arith.constant 64 : index
      %swap3A_329 = tpu.vector_load %arg9[%swap3A_327, %swap3A_328] {strides = array<i32>} : memref<32x896xf32, #tpu.memory_space<vmem>>, vector<1x16xf32>,
      %swap3A_330 = vector.shape_cast %swap3A_329 : vector<1x16xf32> to vector<16xf32>
      %swap3A_331 = vector.shape_cast %broadcast_in_dim3A_14 : vector<16xf32> to vector<1x16xf32>
      tpu.vector_store %arg9[%swap3A_327, %swap3A_328], %swap3A_331 {strides = array<i32>} : memref<32x896xf32, #tpu.memory_space<vmem>>, vector<1x16xf32>,
      %swap3A_332 = arith.index_cast %scan3A_306 : i32 to index
      %swap3A_333 = arith.constant 80 : index
      %swap3A_334 = tpu.vector_load %arg9[%swap3A_332, %swap3A_333] {strides = array<i32>} : memref<32x896xf32, #tpu.memory_space<vmem>>, vector<1x16xf32>,
      %swap3A_335 = vector.shape_cast %swap3A_334 : vector<1x16xf32> to vector<16xf32>
      %swap3A_336 = vector.shape_cast %broadcast_in_dim3A_14 : vector<16xf32> to vector<1x16xf32>
      tpu.vector_store %arg9[%swap3A_332, %swap3A_333], %swap3A_336 {strides = array<i32>} : memref<32x896xf32, #tpu.memory_space<vmem>>, vector<1x16xf32>,
      %swap3A_337 = arith.index_cast %scan3A_306 : i32 to index
      %swap3A_338 = arith.constant 96 : index
      %swap3A_339 = tpu.vector_load %arg9[%swap3A_337, %swap3A_338] {strides = array<i32>} : memref<32x896xf32, #tpu.memory_space<vmem>>, vector<1x16xf32>,
      %swap3A_340 = vector.shape_cast %swap3A_339 : vector<1x16xf32> to vector<16xf32>
      %swap3A_341 = vector.shape_cast %broadcast_in_dim3A_14 : vector<16xf32> to vector<1x16xf32>
      tpu.vector_store %arg9[%swap3A_337, %swap3A_338], %swap3A_341 {strides = array<i32>} : memref<32x896xf32, #tpu.memory_space<vmem>>, vector<1x16xf32>,
      %swap3A_342 = arith.index_cast %scan3A_306 : i32 to index
      %swap3A_343 = arith.constant 112 : index
      %swap3A_344 = tpu.vector_load %arg9[%swap3A_342, %swap3A_343] {strides = array<i32>} : memref<32x896xf32, #tpu.memory_space<vmem>>, vector<1x16xf32>,
      %swap3A_345 = vector.shape_cast %swap3A_344 : vector<1x16xf32> to vector<16xf32>
      %swap3A_346 = vector.shape_cast %broadcast_in_dim3A_14 : vector<16xf32> to vector<1x16xf32>
      tpu.vector_store %arg9[%swap3A_342, %swap3A_343], %swap3A_346 {strides = array<i32>} : memref<32x896xf32, #tpu.memory_space<vmem>>, vector<1x16xf32>,
      %swap3A_347 = arith.index_cast %scan3A_306 : i32 to index
      %swap3A_348 = arith.constant 128 : index
      %swap3A_349 = tpu.vector_load %arg9[%swap3A_347, %swap3A_348] {strides = array<i32>} : memref<32x896xf32, #tpu.memory_space<vmem>>, vector<1x16xf32>,
      %swap3A_350 = vector.shape_cast %swap3A_349 : vector<1x16xf32> to vector<16xf32>
      %swap3A_351 = vector.shape_cast %broadcast_in_dim3A_14 : vector<16xf32> to vector<1x16xf32>
      tpu.vector_store %arg9[%swap3A_347, %swap3A_348], %swap3A_351 {strides = array<i32>} : memref<32x896xf32, #tpu.memory_space<vmem>>, vector<1x16xf32>,
      %swap3A_352 = arith.index_cast %scan3A_306 : i32 to index
      %swap3A_353 = arith.constant 144 : index
      %swap3A_354 = tpu.vector_load %arg9[%swap3A_352, %swap3A_353] {strides = array<i32>} : memref<32x896xf32, #tpu.memory_space<vmem>>, vector<1x16xf32>,
      %swap3A_355 = vector.shape_cast %swap3A_354 : vector<1x16xf32> to vector<16xf32>
      %swap3A_356 = vector.shape_cast %broadcast_in_dim3A_14 : vector<16xf32> to vector<1x16xf32>
      tpu.vector_store %arg9[%swap3A_352, %swap3A_353], %swap3A_356 {strides = array<i32>} : memref<32x896xf32, #tpu.memory_space<vmem>>, vector<1x16xf32>,
      %swap3A_357 = arith.index_cast %scan3A_306 : i32 to index
      %swap3A_358 = arith.constant 160 : index
      %swap3A_359 = tpu.vector_load %arg9[%swap3A_357, %swap3A_358] {strides = array<i32>} : memref<32x896xf32, #tpu.memory_space<vmem>>, vector<1x16xf32>,
      %swap3A_360 = vector.shape_cast %swap3A_359 : vector<1x16xf32> to vector<16xf32>
      %swap3A_361 = vector.shape_cast %broadcast_in_dim3A_14 : vector<16xf32> to vector<1x16xf32>
      tpu.vector_store %arg9[%swap3A_357, %swap3A_358], %swap3A_361 {strides = array<i32>} : memref<32x896xf32, #tpu.memory_space<vmem>>, vector<1x16xf32>,
      %swap3A_362 = arith.index_cast %scan3A_306 : i32 to index
      %swap3A_363 = arith.constant 176 : index
      %swap3A_364 = tpu.vector_load %arg9[%swap3A_362, %swap3A_363] {strides = array<i32>} : memref<32x896xf32, #tpu.memory_space<vmem>>, vector<1x16xf32>,
      %swap3A_365 = vector.shape_cast %swap3A_364 : vector<1x16xf32> to vector<16xf32>
      %swap3A_366 = vector.shape_cast %broadcast_in_dim3A_14 : vector<16xf32> to vector<1x16xf32>
      tpu.vector_store %arg9[%swap3A_362, %swap3A_363], %swap3A_366 {strides = array<i32>} : memref<32x896xf32, #tpu.memory_space<vmem>>, vector<1x16xf32>,
      %swap3A_367 = arith.index_cast %scan3A_306 : i32 to index
      %swap3A_368 = arith.constant 192 : index
      %swap3A_369 = tpu.vector_load %arg9[%swap3A_367, %swap3A_368] {strides = array<i32>} : memref<32x896xf32, #tpu.memory_space<vmem>>, vector<1x16xf32>,
      %swap3A_370 = vector.shape_cast %swap3A_369 : vector<1x16xf32> to vector<16xf32>
      %swap3A_371 = vector.shape_cast %broadcast_in_dim3A_14 : vector<16xf32> to vector<1x16xf32>
      tpu.vector_store %arg9[%swap3A_367, %swap3A_368], %swap3A_371 {strides = array<i32>} : memref<32x896xf32, #tpu.memory_space<vmem>>, vector<1x16xf32>,
      %swap3A_372 = arith.index_cast %scan3A_306 : i32 to index
      %swap3A_373 = arith.constant 208 : index
      %swap3A_374 = tpu.vector_load %arg9[%swap3A_372, %swap3A_373] {strides = array<i32>} : memref<32x896xf32, #tpu.memory_space<vmem>>, vector<1x16xf32>,
      %swap3A_375 = vector.shape_cast %swap3A_374 : vector<1x16xf32> to vector<16xf32>
      %swap3A_376 = vector.shape_cast %broadcast_in_dim3A_14 : vector<16xf32> to vector<1x16xf32>
      tpu.vector_store %arg9[%swap3A_372, %swap3A_373], %swap3A_376 {strides = array<i32>} : memref<32x896xf32, #tpu.memory_space<vmem>>, vector<1x16xf32>,
      %swap3A_377 = arith.index_cast %scan3A_306 : i32 to index
      %swap3A_378 = arith.constant 224 : index
      %swap3A_379 = tpu.vector_load %arg9[%swap3A_377, %swap3A_378] {strides = array<i32>} : memref<32x896xf32, #tpu.memory_space<vmem>>, vector<1x16xf32>,
      %swap3A_380 = vector.shape_cast %swap3A_379 : vector<1x16xf32> to vector<16xf32>
      %swap3A_381 = vector.shape_cast %broadcast_in_dim3A_14 : vector<16xf32> to vector<1x16xf32>
      tpu.vector_store %arg9[%swap3A_377, %swap3A_378], %swap3A_381 {strides = array<i32>} : memref<32x896xf32, #tpu.memory_space<vmem>>, vector<1x16xf32>,
      %swap3A_382 = arith.index_cast %scan3A_306 : i32 to index
      %swap3A_383 = arith.constant 240 : index
      %swap3A_384 = tpu.vector_load %arg9[%swap3A_382, %swap3A_383] {strides = array<i32>} : memref<32x896xf32, #tpu.memory_space<vmem>>, vector<1x16xf32>,
      %swap3A_385 = vector.shape_cast %swap3A_384 : vector<1x16xf32> to vector<16xf32>
      %swap3A_386 = vector.shape_cast %broadcast_in_dim3A_14 : vector<16xf32> to vector<1x16xf32>
      tpu.vector_store %arg9[%swap3A_382, %swap3A_383], %swap3A_386 {strides = array<i32>} : memref<32x896xf32, #tpu.memory_space<vmem>>, vector<1x16xf32>,
      %swap3A_387 = arith.index_cast %scan3A_306 : i32 to index
      %swap3A_388 = arith.constant 256 : index
      %swap3A_389 = tpu.vector_load %arg9[%swap3A_387, %swap3A_388] {strides = array<i32>} : memref<32x896xf32, #tpu.memory_space<vmem>>, vector<1x16xf32>,
      %swap3A_390 = vector.shape_cast %swap3A_389 : vector<1x16xf32> to vector<16xf32>
      %swap3A_391 = vector.shape_cast %broadcast_in_dim3A_14 : vector<16xf32> to vector<1x16xf32>
      tpu.vector_store %arg9[%swap3A_387, %swap3A_388], %swap3A_391 {strides = array<i32>} : memref<32x896xf32, #tpu.memory_space<vmem>>, vector<1x16xf32>,
      %swap3A_392 = arith.index_cast %scan3A_306 : i32 to index
      %swap3A_393 = arith.constant 272 : index
      %swap3A_394 = tpu.vector_load %arg9[%swap3A_392, %swap3A_393] {strides = array<i32>} : memref<32x896xf32, #tpu.memory_space<vmem>>, vector<1x16xf32>,
      %swap3A_395 = vector.shape_cast %swap3A_394 : vector<1x16xf32> to vector<16xf32>
      %swap3A_396 = vector.shape_cast %broadcast_in_dim3A_14 : vector<16xf32> to vector<1x16xf32>
      tpu.vector_store %arg9[%swap3A_392, %swap3A_393], %swap3A_396 {strides = array<i32>} : memref<32x896xf32, #tpu.memory_space<vmem>>, vector<1x16xf32>,
      %swap3A_397 = arith.index_cast %scan3A_306 : i32 to index
      %swap3A_398 = arith.constant 288 : index
      %swap3A_399 = tpu.vector_load %arg9[%swap3A_397, %swap3A_398] {strides = array<i32>} : memref<32x896xf32, #tpu.memory_space<vmem>>, vector<1x16xf32>,
      %swap3A_400 = vector.shape_cast %swap3A_399 : vector<1x16xf32> to vector<16xf32>
      %swap3A_401 = vector.shape_cast %broadcast_in_dim3A_14 : vector<16xf32> to vector<1x16xf32>
      tpu.vector_store %arg9[%swap3A_397, %swap3A_398], %swap3A_401 {strides = array<i32>} : memref<32x896xf32, #tpu.memory_space<vmem>>, vector<1x16xf32>,
      %swap3A_402 = arith.index_cast %scan3A_306 : i32 to index
      %swap3A_403 = arith.constant 304 : index
      %swap3A_404 = tpu.vector_load %arg9[%swap3A_402, %swap3A_403] {strides = array<i32>} : memref<32x896xf32, #tpu.memory_space<vmem>>, vector<1x16xf32>,
      %swap3A_405 = vector.shape_cast %swap3A_404 : vector<1x16xf32> to vector<16xf32>
      %swap3A_406 = vector.shape_cast %broadcast_in_dim3A_14 : vector<16xf32> to vector<1x16xf32>
      tpu.vector_store %arg9[%swap3A_402, %swap3A_403], %swap3A_406 {strides = array<i32>} : memref<32x896xf32, #tpu.memory_space<vmem>>, vector<1x16xf32>,
      %swap3A_407 = arith.index_cast %scan3A_306 : i32 to index
      %swap3A_408 = arith.constant 320 : index
      %swap3A_409 = tpu.vector_load %arg9[%swap3A_407, %swap3A_408] {strides = array<i32>} : memref<32x896xf32, #tpu.memory_space<vmem>>, vector<1x16xf32>,
      %swap3A_410 = vector.shape_cast %swap3A_409 : vector<1x16xf32> to vector<16xf32>
      %swap3A_411 = vector.shape_cast %broadcast_in_dim3A_14 : vector<16xf32> to vector<1x16xf32>
      tpu.vector_store %arg9[%swap3A_407, %swap3A_408], %swap3A_411 {strides = array<i32>} : memref<32x896xf32, #tpu.memory_space<vmem>>, vector<1x16xf32>,
      %swap3A_412 = arith.index_cast %scan3A_306 : i32 to index
      %swap3A_413 = arith.constant 336 : index
      %swap3A_414 = tpu.vector_load %arg9[%swap3A_412, %swap3A_413] {strides = array<i32>} : memref<32x896xf32, #tpu.memory_space<vmem>>, vector<1x16xf32>,
      %swap3A_415 = vector.shape_cast %swap3A_414 : vector<1x16xf32> to vector<16xf32>
      %swap3A_416 = vector.shape_cast %broadcast_in_dim3A_14 : vector<16xf32> to vector<1x16xf32>
      tpu.vector_store %arg9[%swap3A_412, %swap3A_413], %swap3A_416 {strides = array<i32>} : memref<32x896xf32, #tpu.memory_space<vmem>>, vector<1x16xf32>,
      %swap3A_417 = arith.index_cast %scan3A_306 : i32 to index
      %swap3A_418 = arith.constant 352 : index
      %swap3A_419 = tpu.vector_load %arg9[%swap3A_417, %swap3A_418] {strides = array<i32>} : memref<32x896xf32, #tpu.memory_space<vmem>>, vector<1x16xf32>,
      %swap3A_420 = vector.shape_cast %swap3A_419 : vector<1x16xf32> to vector<16xf32>
      %swap3A_421 = vector.shape_cast %broadcast_in_dim3A_14 : vector<16xf32> to vector<1x16xf32>
      tpu.vector_store %arg9[%swap3A_417, %swap3A_418], %swap3A_421 {strides = array<i32>} : memref<32x896xf32, #tpu.memory_space<vmem>>, vector<1x16xf32>,
      %swap3A_422 = arith.index_cast %scan3A_306 : i32 to index
      %swap3A_423 = arith.constant 368 : index
      %swap3A_424 = tpu.vector_load %arg9[%swap3A_422, %swap3A_423] {strides = array<i32>} : memref<32x896xf32, #tpu.memory_space<vmem>>, vector<1x16xf32>,
      %swap3A_425 = vector.shape_cast %swap3A_424 : vector<1x16xf32> to vector<16xf32>
      %swap3A_426 = vector.shape_cast %broadcast_in_dim3A_14 : vector<16xf32> to vector<1x16xf32>
      tpu.vector_store %arg9[%swap3A_422, %swap3A_423], %swap3A_426 {strides = array<i32>} : memref<32x896xf32, #tpu.memory_space<vmem>>, vector<1x16xf32>,
      %swap3A_427 = arith.index_cast %scan3A_306 : i32 to index
      %swap3A_428 = arith.constant 384 : index
      %swap3A_429 = tpu.vector_load %arg9[%swap3A_427, %swap3A_428] {strides = array<i32>} : memref<32x896xf32, #tpu.memory_space<vmem>>, vector<1x16xf32>,
      %swap3A_430 = vector.shape_cast %swap3A_429 : vector<1x16xf32> to vector<16xf32>
      %swap3A_431 = vector.shape_cast %broadcast_in_dim3A_14 : vector<16xf32> to vector<1x16xf32>
      tpu.vector_store %arg9[%swap3A_427, %swap3A_428], %swap3A_431 {strides = array<i32>} : memref<32x896xf32, #tpu.memory_space<vmem>>, vector<1x16xf32>,
      %swap3A_432 = arith.index_cast %scan3A_306 : i32 to index
      %swap3A_433 = arith.constant 400 : index
      %swap3A_434 = tpu.vector_load %arg9[%swap3A_432, %swap3A_433] {strides = array<i32>} : memref<32x896xf32, #tpu.memory_space<vmem>>, vector<1x16xf32>,
      %swap3A_435 = vector.shape_cast %swap3A_434 : vector<1x16xf32> to vector<16xf32>
      %swap3A_436 = vector.shape_cast %broadcast_in_dim3A_14 : vector<16xf32> to vector<1x16xf32>
      tpu.vector_store %arg9[%swap3A_432, %swap3A_433], %swap3A_436 {strides = array<i32>} : memref<32x896xf32, #tpu.memory_space<vmem>>, vector<1x16xf32>,
      %swap3A_437 = arith.index_cast %scan3A_306 : i32 to index
      %swap3A_438 = arith.constant 416 : index
      %swap3A_439 = tpu.vector_load %arg9[%swap3A_437, %swap3A_438] {strides = array<i32>} : memref<32x896xf32, #tpu.memory_space<vmem>>, vector<1x16xf32>,
      %swap3A_440 = vector.shape_cast %swap3A_439 : vector<1x16xf32> to vector<16xf32>
      %swap3A_441 = vector.shape_cast %broadcast_in_dim3A_14 : vector<16xf32> to vector<1x16xf32>
      tpu.vector_store %arg9[%swap3A_437, %swap3A_438], %swap3A_441 {strides = array<i32>} : memref<32x896xf32, #tpu.memory_space<vmem>>, vector<1x16xf32>,
      %swap3A_442 = arith.index_cast %scan3A_306 : i32 to index
      %swap3A_443 = arith.constant 432 : index
      %swap3A_444 = tpu.vector_load %arg9[%swap3A_442, %swap3A_443] {strides = array<i32>} : memref<32x896xf32, #tpu.memory_space<vmem>>, vector<1x16xf32>,
      %swap3A_445 = vector.shape_cast %swap3A_444 : vector<1x16xf32> to vector<16xf32>
      %swap3A_446 = vector.shape_cast %broadcast_in_dim3A_14 : vector<16xf32> to vector<1x16xf32>
      tpu.vector_store %arg9[%swap3A_442, %swap3A_443], %swap3A_446 {strides = array<i32>} : memref<32x896xf32, #tpu.memory_space<vmem>>, vector<1x16xf32>,
      %swap3A_447 = arith.index_cast %scan3A_306 : i32 to index
      %swap3A_448 = arith.constant 448 : index
      %swap3A_449 = tpu.vector_load %arg9[%swap3A_447, %swap3A_448] {strides = array<i32>} : memref<32x896xf32, #tpu.memory_space<vmem>>, vector<1x16xf32>,
      %swap3A_450 = vector.shape_cast %swap3A_449 : vector<1x16xf32> to vector<16xf32>
      %swap3A_451 = vector.shape_cast %broadcast_in_dim3A_14 : vector<16xf32> to vector<1x16xf32>
      tpu.vector_store %arg9[%swap3A_447, %swap3A_448], %swap3A_451 {strides = array<i32>} : memref<32x896xf32, #tpu.memory_space<vmem>>, vector<1x16xf32>,
      %swap3A_452 = arith.index_cast %scan3A_306 : i32 to index
      %swap3A_453 = arith.constant 464 : index
      %swap3A_454 = tpu.vector_load %arg9[%swap3A_452, %swap3A_453] {strides = array<i32>} : memref<32x896xf32, #tpu.memory_space<vmem>>, vector<1x16xf32>,
      %swap3A_455 = vector.shape_cast %swap3A_454 : vector<1x16xf32> to vector<16xf32>
      %swap3A_456 = vector.shape_cast %broadcast_in_dim3A_14 : vector<16xf32> to vector<1x16xf32>
      tpu.vector_store %arg9[%swap3A_452, %swap3A_453], %swap3A_456 {strides = array<i32>} : memref<32x896xf32, #tpu.memory_space<vmem>>, vector<1x16xf32>,
      %swap3A_457 = arith.index_cast %scan3A_306 : i32 to index
      %swap3A_458 = arith.constant 480 : index
      %swap3A_459 = tpu.vector_load %arg9[%swap3A_457, %swap3A_458] {strides = array<i32>} : memref<32x896xf32, #tpu.memory_space<vmem>>, vector<1x16xf32>,
      %swap3A_460 = vector.shape_cast %swap3A_459 : vector<1x16xf32> to vector<16xf32>
      %swap3A_461 = vector.shape_cast %broadcast_in_dim3A_14 : vector<16xf32> to vector<1x16xf32>
      tpu.vector_store %arg9[%swap3A_457, %swap3A_458], %swap3A_461 {strides = array<i32>} : memref<32x896xf32, #tpu.memory_space<vmem>>, vector<1x16xf32>,
      %swap3A_462 = arith.index_cast %scan3A_306 : i32 to index
      %swap3A_463 = arith.constant 496 : index
      %swap3A_464 = tpu.vector_load %arg9[%swap3A_462, %swap3A_463] {strides = array<i32>} : memref<32x896xf32, #tpu.memory_space<vmem>>, vector<1x16xf32>,
      %swap3A_465 = vector.shape_cast %swap3A_464 : vector<1x16xf32> to vector<16xf32>
      %swap3A_466 = vector.shape_cast %broadcast_in_dim3A_14 : vector<16xf32> to vector<1x16xf32>
      tpu.vector_store %arg9[%swap3A_462, %swap3A_463], %swap3A_466 {strides = array<i32>} : memref<32x896xf32, #tpu.memory_space<vmem>>, vector<1x16xf32>,
      %swap3A_467 = arith.index_cast %scan3A_306 : i32 to index
      %swap3A_468 = arith.constant 512 : index
      %swap3A_469 = tpu.vector_load %arg9[%swap3A_467, %swap3A_468] {strides = array<i32>} : memref<32x896xf32, #tpu.memory_space<vmem>>, vector<1x16xf32>,
      %swap3A_470 = vector.shape_cast %swap3A_469 : vector<1x16xf32> to vector<16xf32>
      %swap3A_471 = vector.shape_cast %broadcast_in_dim3A_14 : vector<16xf32> to vector<1x16xf32>
      tpu.vector_store %arg9[%swap3A_467, %swap3A_468], %swap3A_471 {strides = array<i32>} : memref<32x896xf32, #tpu.memory_space<vmem>>, vector<1x16xf32>,
      %swap3A_472 = arith.index_cast %scan3A_306 : i32 to index
      %swap3A_473 = arith.constant 528 : index
      %swap3A_474 = tpu.vector_load %arg9[%swap3A_472, %swap3A_473] {strides = array<i32>} : memref<32x896xf32, #tpu.memory_space<vmem>>, vector<1x16xf32>,
      %swap3A_475 = vector.shape_cast %swap3A_474 : vector<1x16xf32> to vector<16xf32>
      %swap3A_476 = vector.shape_cast %broadcast_in_dim3A_14 : vector<16xf32> to vector<1x16xf32>
      tpu.vector_store %arg9[%swap3A_472, %swap3A_473], %swap3A_476 {strides = array<i32>} : memref<32x896xf32, #tpu.memory_space<vmem>>, vector<1x16xf32>,
      %swap3A_477 = arith.index_cast %scan3A_306 : i32 to index
      %swap3A_478 = arith.constant 544 : index
      %swap3A_479 = tpu.vector_load %arg9[%swap3A_477, %swap3A_478] {strides = array<i32>} : memref<32x896xf32, #tpu.memory_space<vmem>>, vector<1x16xf32>,
      %swap3A_480 = vector.shape_cast %swap3A_479 : vector<1x16xf32> to vector<16xf32>
      %swap3A_481 = vector.shape_cast %broadcast_in_dim3A_14 : vector<16xf32> to vector<1x16xf32>
      tpu.vector_store %arg9[%swap3A_477, %swap3A_478], %swap3A_481 {strides = array<i32>} : memref<32x896xf32, #tpu.memory_space<vmem>>, vector<1x16xf32>,
      %swap3A_482 = arith.index_cast %scan3A_306 : i32 to index
      %swap3A_483 = arith.constant 560 : index
      %swap3A_484 = tpu.vector_load %arg9[%swap3A_482, %swap3A_483] {strides = array<i32>} : memref<32x896xf32, #tpu.memory_space<vmem>>, vector<1x16xf32>,
      %swap3A_485 = vector.shape_cast %swap3A_484 : vector<1x16xf32> to vector<16xf32>
      %swap3A_486 = vector.shape_cast %broadcast_in_dim3A_14 : vector<16xf32> to vector<1x16xf32>
      tpu.vector_store %arg9[%swap3A_482, %swap3A_483], %swap3A_486 {strides = array<i32>} : memref<32x896xf32, #tpu.memory_space<vmem>>, vector<1x16xf32>,
      %swap3A_487 = arith.index_cast %scan3A_306 : i32 to index
      %swap3A_488 = arith.constant 576 : index
      %swap3A_489 = tpu.vector_load %arg9[%swap3A_487, %swap3A_488] {strides = array<i32>} : memref<32x896xf32, #tpu.memory_space<vmem>>, vector<1x16xf32>,
      %swap3A_490 = vector.shape_cast %swap3A_489 : vector<1x16xf32> to vector<16xf32>
      %swap3A_491 = vector.shape_cast %broadcast_in_dim3A_14 : vector<16xf32> to vector<1x16xf32>
      tpu.vector_store %arg9[%swap3A_487, %swap3A_488], %swap3A_491 {strides = array<i32>} : memref<32x896xf32, #tpu.memory_space<vmem>>, vector<1x16xf32>,
      %swap3A_492 = arith.index_cast %scan3A_306 : i32 to index
      %swap3A_493 = arith.constant 592 : index
      %swap3A_494 = tpu.vector_load %arg9[%swap3A_492, %swap3A_493] {strides = array<i32>} : memref<32x896xf32, #tpu.memory_space<vmem>>, vector<1x16xf32>,
      %swap3A_495 = vector.shape_cast %swap3A_494 : vector<1x16xf32> to vector<16xf32>
      %swap3A_496 = vector.shape_cast %broadcast_in_dim3A_14 : vector<16xf32> to vector<1x16xf32>
      tpu.vector_store %arg9[%swap3A_492, %swap3A_493], %swap3A_496 {strides = array<i32>} : memref<32x896xf32, #tpu.memory_space<vmem>>, vector<1x16xf32>,
      %swap3A_497 = arith.index_cast %scan3A_306 : i32 to index
      %swap3A_498 = arith.constant 608 : index
      %swap3A_499 = tpu.vector_load %arg9[%swap3A_497, %swap3A_498] {strides = array<i32>} : memref<32x896xf32, #tpu.memory_space<vmem>>, vector<1x16xf32>,
      %swap3A_500 = vector.shape_cast %swap3A_499 : vector<1x16xf32> to vector<16xf32>
      %swap3A_501 = vector.shape_cast %broadcast_in_dim3A_14 : vector<16xf32> to vector<1x16xf32>
      tpu.vector_store %arg9[%swap3A_497, %swap3A_498], %swap3A_501 {strides = array<i32>} : memref<32x896xf32, #tpu.memory_space<vmem>>, vector<1x16xf32>,
      %swap3A_502 = arith.index_cast %scan3A_306 : i32 to index
      %swap3A_503 = arith.constant 624 : index
      %swap3A_504 = tpu.vector_load %arg9[%swap3A_502, %swap3A_503] {strides = array<i32>} : memref<32x896xf32, #tpu.memory_space<vmem>>, vector<1x16xf32>,
      %swap3A_505 = vector.shape_cast %swap3A_504 : vector<1x16xf32> to vector<16xf32>
      %swap3A_506 = vector.shape_cast %broadcast_in_dim3A_14 : vector<16xf32> to vector<1x16xf32>
      tpu.vector_store %arg9[%swap3A_502, %swap3A_503], %swap3A_506 {strides = array<i32>} : memref<32x896xf32, #tpu.memory_space<vmem>>, vector<1x16xf32>,
      %swap3A_507 = arith.index_cast %scan3A_306 : i32 to index
      %swap3A_508 = arith.constant 640 : index
      %swap3A_509 = tpu.vector_load %arg9[%swap3A_507, %swap3A_508] {strides = array<i32>} : memref<32x896xf32, #tpu.memory_space<vmem>>, vector<1x16xf32>,
      %swap3A_510 = vector.shape_cast %swap3A_509 : vector<1x16xf32> to vector<16xf32>
      %swap3A_511 = vector.shape_cast %broadcast_in_dim3A_14 : vector<16xf32> to vector<1x16xf32>
      tpu.vector_store %arg9[%swap3A_507, %swap3A_508], %swap3A_511 {strides = array<i32>} : memref<32x896xf32, #tpu.memory_space<vmem>>, vector<1x16xf32>,
      %swap3A_512 = arith.index_cast %scan3A_306 : i32 to index
      %swap3A_513 = arith.constant 656 : index
      %swap3A_514 = tpu.vector_load %arg9[%swap3A_512, %swap3A_513] {strides = array<i32>} : memref<32x896xf32, #tpu.memory_space<vmem>>, vector<1x16xf32>,
      %swap3A_515 = vector.shape_cast %swap3A_514 : vector<1x16xf32> to vector<16xf32>
      %swap3A_516 = vector.shape_cast %broadcast_in_dim3A_14 : vector<16xf32> to vector<1x16xf32>
      tpu.vector_store %arg9[%swap3A_512, %swap3A_513], %swap3A_516 {strides = array<i32>} : memref<32x896xf32, #tpu.memory_space<vmem>>, vector<1x16xf32>,
      %swap3A_517 = arith.index_cast %scan3A_306 : i32 to index
      %swap3A_518 = arith.constant 672 : index
      %swap3A_519 = tpu.vector_load %arg9[%swap3A_517, %swap3A_518] {strides = array<i32>} : memref<32x896xf32, #tpu.memory_space<vmem>>, vector<1x16xf32>,
      %swap3A_520 = vector.shape_cast %swap3A_519 : vector<1x16xf32> to vector<16xf32>
      %swap3A_521 = vector.shape_cast %broadcast_in_dim3A_14 : vector<16xf32> to vector<1x16xf32>
      tpu.vector_store %arg9[%swap3A_517, %swap3A_518], %swap3A_521 {strides = array<i32>} : memref<32x896xf32, #tpu.memory_space<vmem>>, vector<1x16xf32>,
      %swap3A_522 = arith.index_cast %scan3A_306 : i32 to index
      %swap3A_523 = arith.constant 688 : index
      %swap3A_524 = tpu.vector_load %arg9[%swap3A_522, %swap3A_523] {strides = array<i32>} : memref<32x896xf32, #tpu.memory_space<vmem>>, vector<1x16xf32>,
      %swap3A_525 = vector.shape_cast %swap3A_524 : vector<1x16xf32> to vector<16xf32>
      %swap3A_526 = vector.shape_cast %broadcast_in_dim3A_14 : vector<16xf32> to vector<1x16xf32>
      tpu.vector_store %arg9[%swap3A_522, %swap3A_523], %swap3A_526 {strides = array<i32>} : memref<32x896xf32, #tpu.memory_space<vmem>>, vector<1x16xf32>,
      %swap3A_527 = arith.index_cast %scan3A_306 : i32 to index
      %swap3A_528 = arith.constant 704 : index
      %swap3A_529 = tpu.vector_load %arg9[%swap3A_527, %swap3A_528] {strides = array<i32>} : memref<32x896xf32, #tpu.memory_space<vmem>>, vector<1x16xf32>,
      %swap3A_530 = vector.shape_cast %swap3A_529 : vector<1x16xf32> to vector<16xf32>
      %swap3A_531 = vector.shape_cast %broadcast_in_dim3A_14 : vector<16xf32> to vector<1x16xf32>
      tpu.vector_store %arg9[%swap3A_527, %swap3A_528], %swap3A_531 {strides = array<i32>} : memref<32x896xf32, #tpu.memory_space<vmem>>, vector<1x16xf32>,
      %swap3A_532 = arith.index_cast %scan3A_306 : i32 to index
      %swap3A_533 = arith.constant 720 : index
      %swap3A_534 = tpu.vector_load %arg9[%swap3A_532, %swap3A_533] {strides = array<i32>} : memref<32x896xf32, #tpu.memory_space<vmem>>, vector<1x16xf32>,
      %swap3A_535 = vector.shape_cast %swap3A_534 : vector<1x16xf32> to vector<16xf32>
      %swap3A_536 = vector.shape_cast %broadcast_in_dim3A_14 : vector<16xf32> to vector<1x16xf32>
      tpu.vector_store %arg9[%swap3A_532, %swap3A_533], %swap3A_536 {strides = array<i32>} : memref<32x896xf32, #tpu.memory_space<vmem>>, vector<1x16xf32>,
      %swap3A_537 = arith.index_cast %scan3A_306 : i32 to index
      %swap3A_538 = arith.constant 736 : index
      %swap3A_539 = tpu.vector_load %arg9[%swap3A_537, %swap3A_538] {strides = array<i32>} : memref<32x896xf32, #tpu.memory_space<vmem>>, vector<1x16xf32>,
      %swap3A_540 = vector.shape_cast %swap3A_539 : vector<1x16xf32> to vector<16xf32>
      %swap3A_541 = vector.shape_cast %broadcast_in_dim3A_14 : vector<16xf32> to vector<1x16xf32>
      tpu.vector_store %arg9[%swap3A_537, %swap3A_538], %swap3A_541 {strides = array<i32>} : memref<32x896xf32, #tpu.memory_space<vmem>>, vector<1x16xf32>,
      %swap3A_542 = arith.index_cast %scan3A_306 : i32 to index
      %swap3A_543 = arith.constant 752 : index
      %swap3A_544 = tpu.vector_load %arg9[%swap3A_542, %swap3A_543] {strides = array<i32>} : memref<32x896xf32, #tpu.memory_space<vmem>>, vector<1x16xf32>,
      %swap3A_545 = vector.shape_cast %swap3A_544 : vector<1x16xf32> to vector<16xf32>
      %swap3A_546 = vector.shape_cast %broadcast_in_dim3A_14 : vector<16xf32> to vector<1x16xf32>
      tpu.vector_store %arg9[%swap3A_542, %swap3A_543], %swap3A_546 {strides = array<i32>} : memref<32x896xf32, #tpu.memory_space<vmem>>, vector<1x16xf32>,
      %swap3A_547 = arith.index_cast %scan3A_306 : i32 to index
      %swap3A_548 = arith.constant 768 : index
      %swap3A_549 = tpu.vector_load %arg9[%swap3A_547, %swap3A_548] {strides = array<i32>} : memref<32x896xf32, #tpu.memory_space<vmem>>, vector<1x16xf32>,
      %swap3A_550 = vector.shape_cast %swap3A_549 : vector<1x16xf32> to vector<16xf32>
      %swap3A_551 = vector.shape_cast %broadcast_in_dim3A_14 : vector<16xf32> to vector<1x16xf32>
      tpu.vector_store %arg9[%swap3A_547, %swap3A_548], %swap3A_551 {strides = array<i32>} : memref<32x896xf32, #tpu.memory_space<vmem>>, vector<1x16xf32>,
      %swap3A_552 = arith.index_cast %scan3A_306 : i32 to index
      %swap3A_553 = arith.constant 784 : index
      %swap3A_554 = tpu.vector_load %arg9[%swap3A_552, %swap3A_553] {strides = array<i32>} : memref<32x896xf32, #tpu.memory_space<vmem>>, vector<1x16xf32>,
      %swap3A_555 = vector.shape_cast %swap3A_554 : vector<1x16xf32> to vector<16xf32>
      %swap3A_556 = vector.shape_cast %broadcast_in_dim3A_14 : vector<16xf32> to vector<1x16xf32>
      tpu.vector_store %arg9[%swap3A_552, %swap3A_553], %swap3A_556 {strides = array<i32>} : memref<32x896xf32, #tpu.memory_space<vmem>>, vector<1x16xf32>,
      %swap3A_557 = arith.index_cast %scan3A_306 : i32 to index
      %swap3A_558 = arith.constant 800 : index
      %swap3A_559 = tpu.vector_load %arg9[%swap3A_557, %swap3A_558] {strides = array<i32>} : memref<32x896xf32, #tpu.memory_space<vmem>>, vector<1x16xf32>,
      %swap3A_560 = vector.shape_cast %swap3A_559 : vector<1x16xf32> to vector<16xf32>
      %swap3A_561 = vector.shape_cast %broadcast_in_dim3A_14 : vector<16xf32> to vector<1x16xf32>
      tpu.vector_store %arg9[%swap3A_557, %swap3A_558], %swap3A_561 {strides = array<i32>} : memref<32x896xf32, #tpu.memory_space<vmem>>, vector<1x16xf32>,
      %swap3A_562 = arith.index_cast %scan3A_306 : i32 to index
      %swap3A_563 = arith.constant 816 : index
      %swap3A_564 = tpu.vector_load %arg9[%swap3A_562, %swap3A_563] {strides = array<i32>} : memref<32x896xf32, #tpu.memory_space<vmem>>, vector<1x16xf32>,
      %swap3A_565 = vector.shape_cast %swap3A_564 : vector<1x16xf32> to vector<16xf32>
      %swap3A_566 = vector.shape_cast %broadcast_in_dim3A_14 : vector<16xf32> to vector<1x16xf32>
      tpu.vector_store %arg9[%swap3A_562, %swap3A_563], %swap3A_566 {strides = array<i32>} : memref<32x896xf32, #tpu.memory_space<vmem>>, vector<1x16xf32>,
      %swap3A_567 = arith.index_cast %scan3A_306 : i32 to index
      %swap3A_568 = arith.constant 832 : index
      %swap3A_569 = tpu.vector_load %arg9[%swap3A_567, %swap3A_568] {strides = array<i32>} : memref<32x896xf32, #tpu.memory_space<vmem>>, vector<1x16xf32>,
      %swap3A_570 = vector.shape_cast %swap3A_569 : vector<1x16xf32> to vector<16xf32>
      %swap3A_571 = vector.shape_cast %broadcast_in_dim3A_14 : vector<16xf32> to vector<1x16xf32>
      tpu.vector_store %arg9[%swap3A_567, %swap3A_568], %swap3A_571 {strides = array<i32>} : memref<32x896xf32, #tpu.memory_space<vmem>>, vector<1x16xf32>,
      %swap3A_572 = arith.index_cast %scan3A_306 : i32 to index
      %swap3A_573 = arith.constant 848 : index
      %swap3A_574 = tpu.vector_load %arg9[%swap3A_572, %swap3A_573] {strides = array<i32>} : memref<32x896xf32, #tpu.memory_space<vmem>>, vector<1x16xf32>,
      %swap3A_575 = vector.shape_cast %swap3A_574 : vector<1x16xf32> to vector<16xf32>
      %swap3A_576 = vector.shape_cast %broadcast_in_dim3A_14 : vector<16xf32> to vector<1x16xf32>
      tpu.vector_store %arg9[%swap3A_572, %swap3A_573], %swap3A_576 {strides = array<i32>} : memref<32x896xf32, #tpu.memory_space<vmem>>, vector<1x16xf32>,
      %swap3A_577 = arith.index_cast %scan3A_306 : i32 to index
      %swap3A_578 = arith.constant 864 : index
      %swap3A_579 = tpu.vector_load %arg9[%swap3A_577, %swap3A_578] {strides = array<i32>} : memref<32x896xf32, #tpu.memory_space<vmem>>, vector<1x16xf32>,
      %swap3A_580 = vector.shape_cast %swap3A_579 : vector<1x16xf32> to vector<16xf32>
      %swap3A_581 = vector.shape_cast %broadcast_in_dim3A_14 : vector<16xf32> to vector<1x16xf32>
      tpu.vector_store %arg9[%swap3A_577, %swap3A_578], %swap3A_581 {strides = array<i32>} : memref<32x896xf32, #tpu.memory_space<vmem>>, vector<1x16xf32>,
      %swap3A_582 = arith.index_cast %scan3A_306 : i32 to index
      %swap3A_583 = arith.constant 880 : index
      %swap3A_584 = tpu.vector_load %arg9[%swap3A_582, %swap3A_583] {strides = array<i32>} : memref<32x896xf32, #tpu.memory_space<vmem>>, vector<1x16xf32>,
      %swap3A_585 = vector.shape_cast %swap3A_584 : vector<1x16xf32> to vector<16xf32>
      %swap3A_586 = vector.shape_cast %broadcast_in_dim3A_14 : vector<16xf32> to vector<1x16xf32>
      tpu.vector_store %arg9[%swap3A_582, %swap3A_583], %swap3A_586 {strides = array<i32>} : memref<32x896xf32, #tpu.memory_space<vmem>>, vector<1x16xf32>,
      %scan3A_587 = arith.constant 0 : i32
      scf.yield %scan3A_587 : i32
    }
    %scan3A_20 = arith.constant 32 : i32
    %add3A_21 = arith.constant 0 : i32
    %add3A_22 = arith.addi %mul3A_2, %add3A_21 : i32
    %dma_start3A_23 = arith.constant 128 : i32
    %dma_start3A_24 = tpu.memref_slice %arg4[%add3A_22, %dma_start3A_23] : memref<16384x1024xf32, #tpu.memory_space<hbm>> -> memref<32x896xf32, #tpu.memory_space<hbm>>
    %dma_start3A_25 = arith.constant 128 : i32
    %dma_start3A_26 = tpu.memref_slice %arg4[%add3A_22, %dma_start3A_25] : memref<16384x1024xf32, #tpu.memory_space<hbm>> -> memref<32x896xf32, #tpu.memory_space<hbm>>
    tpu.enqueue_dma source(%arg9 : memref<32x896xf32, #tpu.memory_space<vmem>>) target(%dma_start3A_26 : memref<32x896xf32, #tpu.memory_space<hbm>>) target_semaphore(%arg15 : memref<!tpu.dma_semaphore, #tpu.memory_space<semaphore_mem>>)
    %add3A_27 = arith.constant 32 : i32
    %add3A_28 = arith.addi %mul3A_2, %add3A_27 : i32
    %dma_start3A_29 = arith.constant 128 : i32
    %dma_start3A_30 = tpu.memref_slice %arg4[%add3A_28, %dma_start3A_29] : memref<16384x1024xf32, #tpu.memory_space<hbm>> -> memref<32x896xf32, #tpu.memory_space<hbm>>
    %dma_start3A_31 = arith.constant 128 : i32
    %dma_start3A_32 = tpu.memref_slice %arg4[%add3A_28, %dma_start3A_31] : memref<16384x1024xf32, #tpu.memory_space<hbm>> -> memref<32x896xf32, #tpu.memory_space<hbm>>
    tpu.enqueue_dma source(%arg9 : memref<32x896xf32, #tpu.memory_space<vmem>>) target(%dma_start3A_32 : memref<32x896xf32, #tpu.memory_space<hbm>>) target_semaphore(%arg15 : memref<!tpu.dma_semaphore, #tpu.memory_space<semaphore_mem>>)
    %add3A_33 = arith.constant 64 : i32
    %add3A_34 = arith.addi %mul3A_2, %add3A_33 : i32
    %dma_start3A_35 = arith.constant 128 : i32
    %dma_start3A_36 = tpu.memref_slice %arg4[%add3A_34, %dma_start3A_35] : memref<16384x1024xf32, #tpu.memory_space<hbm>> -> memref<32x896xf32, #tpu.memory_space<hbm>>
    %dma_start3A_37 = arith.constant 128 : i32
    %dma_start3A_38 = tpu.memref_slice %arg4[%add3A_34, %dma_start3A_37] : memref<16384x1024xf32, #tpu.memory_space<hbm>> -> memref<32x896xf32, #tpu.memory_space<hbm>>
    tpu.enqueue_dma source(%arg9 : memref<32x896xf32, #tpu.memory_space<vmem>>) target(%dma_start3A_38 : memref<32x896xf32, #tpu.memory_space<hbm>>) target_semaphore(%arg15 : memref<!tpu.dma_semaphore, #tpu.memory_space<semaphore_mem>>)
    %add3A_39 = arith.constant 96 : i32
    %add3A_40 = arith.addi %mul3A_2, %add3A_39 : i32
    %dma_start3A_41 = arith.constant 128 : i32
    %dma_start3A_42 = tpu.memref_slice %arg4[%add3A_40, %dma_start3A_41] : memref<16384x1024xf32, #tpu.memory_space<hbm>> -> memref<32x896xf32, #tpu.memory_space<hbm>>
    %dma_start3A_43 = arith.constant 128 : i32
    %dma_start3A_44 = tpu.memref_slice %arg4[%add3A_40, %dma_start3A_43] : memref<16384x1024xf32, #tpu.memory_space<hbm>> -> memref<32x896xf32, #tpu.memory_space<hbm>>
    tpu.enqueue_dma source(%arg9 : memref<32x896xf32, #tpu.memory_space<vmem>>) target(%dma_start3A_44 : memref<32x896xf32, #tpu.memory_space<hbm>>) target_semaphore(%arg15 : memref<!tpu.dma_semaphore, #tpu.memory_space<semaphore_mem>>)
    %add3A_45 = arith.constant 128 : i32
    %add3A_46 = arith.addi %mul3A_2, %add3A_45 : i32
    %dma_start3A_47 = arith.constant 128 : i32
    %dma_start3A_48 = tpu.memref_slice %arg4[%add3A_46, %dma_start3A_47] : memref<16384x1024xf32, #tpu.memory_space<hbm>> -> memref<32x896xf32, #tpu.memory_space<hbm>>
    %dma_start3A_49 = arith.constant 128 : i32
    %dma_start3A_50 = tpu.memref_slice %arg4[%add3A_46, %dma_start3A_49] : memref<16384x1024xf32, #tpu.memory_space<hbm>> -> memref<32x896xf32, #tpu.memory_space<hbm>>
    tpu.enqueue_dma source(%arg9 : memref<32x896xf32, #tpu.memory_space<vmem>>) target(%dma_start3A_50 : memref<32x896xf32, #tpu.memory_space<hbm>>) target_semaphore(%arg15 : memref<!tpu.dma_semaphore, #tpu.memory_space<semaphore_mem>>)
    %add3A_51 = arith.constant 160 : i32
    %add3A_52 = arith.addi %mul3A_2, %add3A_51 : i32
    %dma_start3A_53 = arith.constant 128 : i32
    %dma_start3A_54 = tpu.memref_slice %arg4[%add3A_52, %dma_start3A_53] : memref<16384x1024xf32, #tpu.memory_space<hbm>> -> memref<32x896xf32, #tpu.memory_space<hbm>>
    %dma_start3A_55 = arith.constant 128 : i32
    %dma_start3A_56 = tpu.memref_slice %arg4[%add3A_52, %dma_start3A_55] : memref<16384x1024xf32, #tpu.memory_space<hbm>> -> memref<32x896xf32, #tpu.memory_space<hbm>>
    tpu.enqueue_dma source(%arg9 : memref<32x896xf32, #tpu.memory_space<vmem>>) target(%dma_start3A_56 : memref<32x896xf32, #tpu.memory_space<hbm>>) target_semaphore(%arg15 : memref<!tpu.dma_semaphore, #tpu.memory_space<semaphore_mem>>)
    %add3A_57 = arith.constant 192 : i32
    %add3A_58 = arith.addi %mul3A_2, %add3A_57 : i32
    %dma_start3A_59 = arith.constant 128 : i32
    %dma_start3A_60 = tpu.memref_slice %arg4[%add3A_58, %dma_start3A_59] : memref<16384x1024xf32, #tpu.memory_space<hbm>> -> memref<32x896xf32, #tpu.memory_space<hbm>>
    %dma_start3A_61 = arith.constant 128 : i32
    %dma_start3A_62 = tpu.memref_slice %arg4[%add3A_58, %dma_start3A_61] : memref<16384x1024xf32, #tpu.memory_space<hbm>> -> memref<32x896xf32, #tpu.memory_space<hbm>>
    tpu.enqueue_dma source(%arg9 : memref<32x896xf32, #tpu.memory_space<vmem>>) target(%dma_start3A_62 : memref<32x896xf32, #tpu.memory_space<hbm>>) target_semaphore(%arg15 : memref<!tpu.dma_semaphore, #tpu.memory_space<semaphore_mem>>)
    %add3A_63 = arith.constant 224 : i32
    %add3A_64 = arith.addi %mul3A_2, %add3A_63 : i32
    %dma_start3A_65 = arith.constant 128 : i32
    %dma_start3A_66 = tpu.memref_slice %arg4[%add3A_64, %dma_start3A_65] : memref<16384x1024xf32, #tpu.memory_space<hbm>> -> memref<32x896xf32, #tpu.memory_space<hbm>>
    %dma_start3A_67 = arith.constant 128 : i32
    %dma_start3A_68 = tpu.memref_slice %arg4[%add3A_64, %dma_start3A_67] : memref<16384x1024xf32, #tpu.memory_space<hbm>> -> memref<32x896xf32, #tpu.memory_space<hbm>>
    tpu.enqueue_dma source(%arg9 : memref<32x896xf32, #tpu.memory_space<vmem>>) target(%dma_start3A_68 : memref<32x896xf32, #tpu.memory_space<hbm>>) target_semaphore(%arg15 : memref<!tpu.dma_semaphore, #tpu.memory_space<semaphore_mem>>)
    %add3A_69 = arith.constant 256 : i32
    %add3A_70 = arith.addi %mul3A_2, %add3A_69 : i32
    %dma_start3A_71 = arith.constant 128 : i32
    %dma_start3A_72 = tpu.memref_slice %arg4[%add3A_70, %dma_start3A_71] : memref<16384x1024xf32, #tpu.memory_space<hbm>> -> memref<32x896xf32, #tpu.memory_space<hbm>>
    %dma_start3A_73 = arith.constant 128 : i32
    %dma_start3A_74 = tpu.memref_slice %arg4[%add3A_70, %dma_start3A_73] : memref<16384x1024xf32, #tpu.memory_space<hbm>> -> memref<32x896xf32, #tpu.memory_space<hbm>>
    tpu.enqueue_dma source(%arg9 : memref<32x896xf32, #tpu.memory_space<vmem>>) target(%dma_start3A_74 : memref<32x896xf32, #tpu.memory_space<hbm>>) target_semaphore(%arg15 : memref<!tpu.dma_semaphore, #tpu.memory_space<semaphore_mem>>)
    %add3A_75 = arith.constant 288 : i32
    %add3A_76 = arith.addi %mul3A_2, %add3A_75 : i32
    %dma_start3A_77 = arith.constant 128 : i32
    %dma_start3A_78 = tpu.memref_slice %arg4[%add3A_76, %dma_start3A_77] : memref<16384x1024xf32, #tpu.memory_space<hbm>> -> memref<32x896xf32, #tpu.memory_space<hbm>>
    %dma_start3A_79 = arith.constant 128 : i32
    %dma_start3A_80 = tpu.memref_slice %arg4[%add3A_76, %dma_start3A_79] : memref<16384x1024xf32, #tpu.memory_space<hbm>> -> memref<32x896xf32, #tpu.memory_space<hbm>>
    tpu.enqueue_dma source(%arg9 : memref<32x896xf32, #tpu.memory_space<vmem>>) target(%dma_start3A_80 : memref<32x896xf32, #tpu.memory_space<hbm>>) target_semaphore(%arg15 : memref<!tpu.dma_semaphore, #tpu.memory_space<semaphore_mem>>)
    %add3A_81 = arith.constant 320 : i32
    %add3A_82 = arith.addi %mul3A_2, %add3A_81 : i32
    %dma_start3A_83 = arith.constant 128 : i32
    %dma_start3A_84 = tpu.memref_slice %arg4[%add3A_82, %dma_start3A_83] : memref<16384x1024xf32, #tpu.memory_space<hbm>> -> memref<32x896xf32, #tpu.memory_space<hbm>>
    %dma_start3A_85 = arith.constant 128 : i32
    %dma_start3A_86 = tpu.memref_slice %arg4[%add3A_82, %dma_start3A_85] : memref<16384x1024xf32, #tpu.memory_space<hbm>> -> memref<32x896xf32, #tpu.memory_space<hbm>>
    tpu.enqueue_dma source(%arg9 : memref<32x896xf32, #tpu.memory_space<vmem>>) target(%dma_start3A_86 : memref<32x896xf32, #tpu.memory_space<hbm>>) target_semaphore(%arg15 : memref<!tpu.dma_semaphore, #tpu.memory_space<semaphore_mem>>)
    %add3A_87 = arith.constant 352 : i32
    %add3A_88 = arith.addi %mul3A_2, %add3A_87 : i32
    %dma_start3A_89 = arith.constant 128 : i32
    %dma_start3A_90 = tpu.memref_slice %arg4[%add3A_88, %dma_start3A_89] : memref<16384x1024xf32, #tpu.memory_space<hbm>> -> memref<32x896xf32, #tpu.memory_space<hbm>>
    %dma_start3A_91 = arith.constant 128 : i32
    %dma_start3A_92 = tpu.memref_slice %arg4[%add3A_88, %dma_start3A_91] : memref<16384x1024xf32, #tpu.memory_space<hbm>> -> memref<32x896xf32, #tpu.memory_space<hbm>>
    tpu.enqueue_dma source(%arg9 : memref<32x896xf32, #tpu.memory_space<vmem>>) target(%dma_start3A_92 : memref<32x896xf32, #tpu.memory_space<hbm>>) target_semaphore(%arg15 : memref<!tpu.dma_semaphore, #tpu.memory_space<semaphore_mem>>)
    %add3A_93 = arith.constant 384 : i32
    %add3A_94 = arith.addi %mul3A_2, %add3A_93 : i32
    %dma_start3A_95 = arith.constant 128 : i32
    %dma_start3A_96 = tpu.memref_slice %arg4[%add3A_94, %dma_start3A_95] : memref<16384x1024xf32, #tpu.memory_space<hbm>> -> memref<32x896xf32, #tpu.memory_space<hbm>>
    %dma_start3A_97 = arith.constant 128 : i32
    %dma_start3A_98 = tpu.memref_slice %arg4[%add3A_94, %dma_start3A_97] : memref<16384x1024xf32, #tpu.memory_space<hbm>> -> memref<32x896xf32, #tpu.memory_space<hbm>>
    tpu.enqueue_dma source(%arg9 : memref<32x896xf32, #tpu.memory_space<vmem>>) target(%dma_start3A_98 : memref<32x896xf32, #tpu.memory_space<hbm>>) target_semaphore(%arg15 : memref<!tpu.dma_semaphore, #tpu.memory_space<semaphore_mem>>)
    %add3A_99 = arith.constant 416 : i32
    %add3A_100 = arith.addi %mul3A_2, %add3A_99 : i32
    %dma_start3A_101 = arith.constant 128 : i32
    %dma_start3A_102 = tpu.memref_slice %arg4[%add3A_100, %dma_start3A_101] : memref<16384x1024xf32, #tpu.memory_space<hbm>> -> memref<32x896xf32, #tpu.memory_space<hbm>>
    %dma_start3A_103 = arith.constant 128 : i32
    %dma_start3A_104 = tpu.memref_slice %arg4[%add3A_100, %dma_start3A_103] : memref<16384x1024xf32, #tpu.memory_space<hbm>> -> memref<32x896xf32, #tpu.memory_space<hbm>>
    tpu.enqueue_dma source(%arg9 : memref<32x896xf32, #tpu.memory_space<vmem>>) target(%dma_start3A_104 : memref<32x896xf32, #tpu.memory_space<hbm>>) target_semaphore(%arg15 : memref<!tpu.dma_semaphore, #tpu.memory_space<semaphore_mem>>)
    %add3A_105 = arith.constant 448 : i32
    %add3A_106 = arith.addi %mul3A_2, %add3A_105 : i32
    %dma_start3A_107 = arith.constant 128 : i32
    %dma_start3A_108 = tpu.memref_slice %arg4[%add3A_106, %dma_start3A_107] : memref<16384x1024xf32, #tpu.memory_space<hbm>> -> memref<32x896xf32, #tpu.memory_space<hbm>>
    %dma_start3A_109 = arith.constant 128 : i32
    %dma_start3A_110 = tpu.memref_slice %arg4[%add3A_106, %dma_start3A_109] : memref<16384x1024xf32, #tpu.memory_space<hbm>> -> memref<32x896xf32, #tpu.memory_space<hbm>>
    tpu.enqueue_dma source(%arg9 : memref<32x896xf32, #tpu.memory_space<vmem>>) target(%dma_start3A_110 : memref<32x896xf32, #tpu.memory_space<hbm>>) target_semaphore(%arg15 : memref<!tpu.dma_semaphore, #tpu.memory_space<semaphore_mem>>)
    %add3A_111 = arith.constant 480 : i32
    %add3A_112 = arith.addi %mul3A_2, %add3A_111 : i32
    %dma_start3A_113 = arith.constant 128 : i32
    %dma_start3A_114 = tpu.memref_slice %arg4[%add3A_112, %dma_start3A_113] : memref<16384x1024xf32, #tpu.memory_space<hbm>> -> memref<32x896xf32, #tpu.memory_space<hbm>>
    %dma_start3A_115 = arith.constant 128 : i32
    %dma_start3A_116 = tpu.memref_slice %arg4[%add3A_112, %dma_start3A_115] : memref<16384x1024xf32, #tpu.memory_space<hbm>> -> memref<32x896xf32, #tpu.memory_space<hbm>>
    tpu.enqueue_dma source(%arg9 : memref<32x896xf32, #tpu.memory_space<vmem>>) target(%dma_start3A_116 : memref<32x896xf32, #tpu.memory_space<hbm>>) target_semaphore(%arg15 : memref<!tpu.dma_semaphore, #tpu.memory_space<semaphore_mem>>)
    %scan3A_117 = arith.constant 0 : i32
    %scan3A_118 = arith.constant 0 : i32
    %scan3A_119 = arith.constant 128 : i32
    %scan3A_120 = arith.addi %scan3A_118, %scan3A_119 : i32
    %scan3A_121 = arith.constant 1 : i32
    %scan3A_122 = scf.for %scan3A_306 = %scan3A_118 to %scan3A_120 step %scan3A_121 iter_args(%scan3A_307 = %scan3A_117) -> (i32)  : i32 {
      %swap3A = arith.index_cast %scan3A_306 : i32 to index
      %swap3A_308 = arith.constant 64 : index
      %swap3A_309 = tpu.vector_load %arg7[%swap3A, %swap3A_308] {strides = array<i32>} : memref<128x128xf32, #tpu.memory_space<vmem>>, vector<1x16xf32>,
      %swap3A_310 = vector.shape_cast %swap3A_309 : vector<1x16xf32> to vector<16xf32>
      %swap3A_311 = vector.shape_cast %broadcast_in_dim3A_14 : vector<16xf32> to vector<1x16xf32>
      tpu.vector_store %arg7[%swap3A, %swap3A_308], %swap3A_311 {strides = array<i32>} : memref<128x128xf32, #tpu.memory_space<vmem>>, vector<1x16xf32>,
      %swap3A_312 = arith.index_cast %scan3A_306 : i32 to index
      %swap3A_313 = arith.constant 64 : index
      %swap3A_314 = tpu.vector_load %arg8[%swap3A_312, %swap3A_313] {strides = array<i32>} : memref<128x128xf32, #tpu.memory_space<vmem>>, vector<1x16xf32>,
      %swap3A_315 = vector.shape_cast %swap3A_314 : vector<1x16xf32> to vector<16xf32>
      %swap3A_316 = vector.shape_cast %broadcast_in_dim3A_14 : vector<16xf32> to vector<1x16xf32>
      tpu.vector_store %arg8[%swap3A_312, %swap3A_313], %swap3A_316 {strides = array<i32>} : memref<128x128xf32, #tpu.memory_space<vmem>>, vector<1x16xf32>,
      %swap3A_317 = arith.index_cast %scan3A_306 : i32 to index
      %swap3A_318 = arith.constant 80 : index
      %swap3A_319 = tpu.vector_load %arg7[%swap3A_317, %swap3A_318] {strides = array<i32>} : memref<128x128xf32, #tpu.memory_space<vmem>>, vector<1x16xf32>,
      %swap3A_320 = vector.shape_cast %swap3A_319 : vector<1x16xf32> to vector<16xf32>
      %swap3A_321 = vector.shape_cast %broadcast_in_dim3A_14 : vector<16xf32> to vector<1x16xf32>
      tpu.vector_store %arg7[%swap3A_317, %swap3A_318], %swap3A_321 {strides = array<i32>} : memref<128x128xf32, #tpu.memory_space<vmem>>, vector<1x16xf32>,
      %swap3A_322 = arith.index_cast %scan3A_306 : i32 to index
      %swap3A_323 = arith.constant 80 : index
      %swap3A_324 = tpu.vector_load %arg8[%swap3A_322, %swap3A_323] {strides = array<i32>} : memref<128x128xf32, #tpu.memory_space<vmem>>, vector<1x16xf32>,
      %swap3A_325 = vector.shape_cast %swap3A_324 : vector<1x16xf32> to vector<16xf32>
      %swap3A_326 = vector.shape_cast %broadcast_in_dim3A_14 : vector<16xf32> to vector<1x16xf32>
      tpu.vector_store %arg8[%swap3A_322, %swap3A_323], %swap3A_326 {strides = array<i32>} : memref<128x128xf32, #tpu.memory_space<vmem>>, vector<1x16xf32>,
      %swap3A_327 = arith.index_cast %scan3A_306 : i32 to index
      %swap3A_328 = arith.constant 96 : index
      %swap3A_329 = tpu.vector_load %arg7[%swap3A_327, %swap3A_328] {strides = array<i32>} : memref<128x128xf32, #tpu.memory_space<vmem>>, vector<1x16xf32>,
      %swap3A_330 = vector.shape_cast %swap3A_329 : vector<1x16xf32> to vector<16xf32>
      %swap3A_331 = vector.shape_cast %broadcast_in_dim3A_14 : vector<16xf32> to vector<1x16xf32>
      tpu.vector_store %arg7[%swap3A_327, %swap3A_328], %swap3A_331 {strides = array<i32>} : memref<128x128xf32, #tpu.memory_space<vmem>>, vector<1x16xf32>,
      %swap3A_332 = arith.index_cast %scan3A_306 : i32 to index
      %swap3A_333 = arith.constant 96 : index
      %swap3A_334 = tpu.vector_load %arg8[%swap3A_332, %swap3A_333] {strides = array<i32>} : memref<128x128xf32, #tpu.memory_space<vmem>>, vector<1x16xf32>,
      %swap3A_335 = vector.shape_cast %swap3A_334 : vector<1x16xf32> to vector<16xf32>
      %swap3A_336 = vector.shape_cast %broadcast_in_dim3A_14 : vector<16xf32> to vector<1x16xf32>
      tpu.vector_store %arg8[%swap3A_332, %swap3A_333], %swap3A_336 {strides = array<i32>} : memref<128x128xf32, #tpu.memory_space<vmem>>, vector<1x16xf32>,
      %swap3A_337 = arith.index_cast %scan3A_306 : i32 to index
      %swap3A_338 = arith.constant 112 : index
      %swap3A_339 = tpu.vector_load %arg7[%swap3A_337, %swap3A_338] {strides = array<i32>} : memref<128x128xf32, #tpu.memory_space<vmem>>, vector<1x16xf32>,
      %swap3A_340 = vector.shape_cast %swap3A_339 : vector<1x16xf32> to vector<16xf32>
      %swap3A_341 = vector.shape_cast %broadcast_in_dim3A_14 : vector<16xf32> to vector<1x16xf32>
      tpu.vector_store %arg7[%swap3A_337, %swap3A_338], %swap3A_341 {strides = array<i32>} : memref<128x128xf32, #tpu.memory_space<vmem>>, vector<1x16xf32>,
      %swap3A_342 = arith.index_cast %scan3A_306 : i32 to index
      %swap3A_343 = arith.constant 112 : index
      %swap3A_344 = tpu.vector_load %arg8[%swap3A_342, %swap3A_343] {strides = array<i32>} : memref<128x128xf32, #tpu.memory_space<vmem>>, vector<1x16xf32>,
      %swap3A_345 = vector.shape_cast %swap3A_344 : vector<1x16xf32> to vector<16xf32>
      %swap3A_346 = vector.shape_cast %broadcast_in_dim3A_14 : vector<16xf32> to vector<1x16xf32>
      tpu.vector_store %arg8[%swap3A_342, %swap3A_343], %swap3A_346 {strides = array<i32>} : memref<128x128xf32, #tpu.memory_space<vmem>>, vector<1x16xf32>,
      %scan3A_347 = arith.constant 0 : i32
      scf.yield %scan3A_347 : i32
    }
    %scan3A_123 = arith.constant 128 : i32
    %get3A = arith.constant 0 : index
    %get3A_124 = tpu.vector_load %arg10[%get3A] {strides = array<i32>} : memref<128xf32, #tpu.memory_space<vmem>>, vector<16xf32>,
    %get3A_125 = vector.shape_cast %get3A_124 : vector<16xf32> to vector<16xf32>
    %get3A_126 = arith.constant 16 : index
    %get3A_127 = tpu.vector_load %arg10[%get3A_126] {strides = array<i32>} : memref<128xf32, #tpu.memory_space<vmem>>, vector<16xf32>,
    %get3A_128 = vector.shape_cast %get3A_127 : vector<16xf32> to vector<16xf32>
    %get3A_129 = arith.constant 32 : index
    %get3A_130 = tpu.vector_load %arg10[%get3A_129] {strides = array<i32>} : memref<128xf32, #tpu.memory_space<vmem>>, vector<16xf32>,
    %get3A_131 = vector.shape_cast %get3A_130 : vector<16xf32> to vector<16xf32>
    %get3A_132 = arith.constant 48 : index
    %get3A_133 = tpu.vector_load %arg10[%get3A_132] {strides = array<i32>} : memref<128xf32, #tpu.memory_space<vmem>>, vector<16xf32>,
    %get3A_134 = vector.shape_cast %get3A_133 : vector<16xf32> to vector<16xf32>
    %get3A_135 = arith.constant 64 : index
    %get3A_136 = tpu.vector_load %arg10[%get3A_135] {strides = array<i32>} : memref<128xf32, #tpu.memory_space<vmem>>, vector<16xf32>,
    %get3A_137 = vector.shape_cast %get3A_136 : vector<16xf32> to vector<16xf32>
    %get3A_138 = arith.constant 80 : index
    %get3A_139 = tpu.vector_load %arg10[%get3A_138] {strides = array<i32>} : memref<128xf32, #tpu.memory_space<vmem>>, vector<16xf32>,
    %get3A_140 = vector.shape_cast %get3A_139 : vector<16xf32> to vector<16xf32>
    %get3A_141 = arith.constant 96 : index
    %get3A_142 = tpu.vector_load %arg10[%get3A_141] {strides = array<i32>} : memref<128xf32, #tpu.memory_space<vmem>>, vector<16xf32>,
    %get3A_143 = vector.shape_cast %get3A_142 : vector<16xf32> to vector<16xf32>
    %get3A_144 = arith.constant 112 : index
    %get3A_145 = tpu.vector_load %arg10[%get3A_144] {strides = array<i32>} : memref<128xf32, #tpu.memory_space<vmem>>, vector<16xf32>,
    %get3A_146 = vector.shape_cast %get3A_145 : vector<16xf32> to vector<16xf32>
    %dma_wait3A = arith.constant 0 : i32
    %dma_wait3A_147 = tpu.memref_slice %arg2[%add3A_4, %dma_wait3A] : memref<16384x1024xf32, #tpu.memory_space<hbm>> -> memref<128x128xf32, #tpu.memory_space<hbm>>
    %dma_wait3A_148 = arith.constant 0 : i32
    %dma_wait3A_149 = tpu.memref_slice %arg2[%add3A_4, %dma_wait3A_148] : memref<16384x1024xf32, #tpu.memory_space<hbm>> -> memref<128x128xf32, #tpu.memory_space<hbm>>
    tpu.wait_dma2 semaphore(%arg11 : memref<!tpu.dma_semaphore, #tpu.memory_space<semaphore_mem>>) src(%dma_wait3A_149 : memref<128x128xf32, #tpu.memory_space<hbm>>) dst(%arg5 : memref<128x128xf32, #tpu.memory_space<vmem>>)
    %scan3A_150 = arith.constant 0 : i32
    %scan3A_151 = arith.constant 0 : i32
    %scan3A_152 = arith.constant 128 : i32
    %scan3A_153 = arith.addi %scan3A_151, %scan3A_152 : i32
    %scan3A_154 = arith.constant 1 : i32
    %scan3A_155 = scf.for %scan3A_306 = %scan3A_151 to %scan3A_153 step %scan3A_154 iter_args(%scan3A_307 = %scan3A_150) -> (i32)  : i32 {
      %get3A_308 = arith.index_cast %scan3A_306 : i32 to index
      %get3A_309 = arith.constant 0 : index
      %get3A_310 = tpu.vector_load %arg5[%get3A_308, %get3A_309] {strides = array<i32>} : memref<128x128xf32, #tpu.memory_space<vmem>>, vector<1x16xf32>,
      %get3A_311 = vector.shape_cast %get3A_310 : vector<1x16xf32> to vector<16xf32>
      %mul3A_312 = arith.mulf %get3A_311, %get3A_125 : vector<16xf32>
      %get3A_313 = arith.index_cast %scan3A_306 : i32 to index
      %get3A_314 = arith.constant 64 : index
      %get3A_315 = tpu.vector_load %arg5[%get3A_313, %get3A_314] {strides = array<i32>} : memref<128x128xf32, #tpu.memory_space<vmem>>, vector<1x16xf32>,
      %get3A_316 = vector.shape_cast %get3A_315 : vector<1x16xf32> to vector<16xf32>
      %mul3A_317 = arith.mulf %get3A_316, %get3A_137 : vector<16xf32>
      %add3A_318 = arith.addf %mul3A_312, %mul3A_317 : vector<16xf32>
      %swap3A = arith.index_cast %scan3A_306 : i32 to index
      %swap3A_319 = arith.constant 0 : index
      %swap3A_320 = tpu.vector_load %arg7[%swap3A, %swap3A_319] {strides = array<i32>} : memref<128x128xf32, #tpu.memory_space<vmem>>, vector<1x16xf32>,
      %swap3A_321 = vector.shape_cast %swap3A_320 : vector<1x16xf32> to vector<16xf32>
      %swap3A_322 = vector.shape_cast %add3A_318 : vector<16xf32> to vector<1x16xf32>
      tpu.vector_store %arg7[%swap3A, %swap3A_319], %swap3A_322 {strides = array<i32>} : memref<128x128xf32, #tpu.memory_space<vmem>>, vector<1x16xf32>,
      %get3A_323 = arith.index_cast %scan3A_306 : i32 to index
      %get3A_324 = arith.constant 16 : index
      %get3A_325 = tpu.vector_load %arg5[%get3A_323, %get3A_324] {strides = array<i32>} : memref<128x128xf32, #tpu.memory_space<vmem>>, vector<1x16xf32>,
      %get3A_326 = vector.shape_cast %get3A_325 : vector<1x16xf32> to vector<16xf32>
      %mul3A_327 = arith.mulf %get3A_326, %get3A_128 : vector<16xf32>
      %get3A_328 = arith.index_cast %scan3A_306 : i32 to index
      %get3A_329 = arith.constant 80 : index
      %get3A_330 = tpu.vector_load %arg5[%get3A_328, %get3A_329] {strides = array<i32>} : memref<128x128xf32, #tpu.memory_space<vmem>>, vector<1x16xf32>,
      %get3A_331 = vector.shape_cast %get3A_330 : vector<1x16xf32> to vector<16xf32>
      %mul3A_332 = arith.mulf %get3A_331, %get3A_140 : vector<16xf32>
      %add3A_333 = arith.addf %mul3A_327, %mul3A_332 : vector<16xf32>
      %swap3A_334 = arith.index_cast %scan3A_306 : i32 to index
      %swap3A_335 = arith.constant 16 : index
      %swap3A_336 = tpu.vector_load %arg7[%swap3A_334, %swap3A_335] {strides = array<i32>} : memref<128x128xf32, #tpu.memory_space<vmem>>, vector<1x16xf32>,
      %swap3A_337 = vector.shape_cast %swap3A_336 : vector<1x16xf32> to vector<16xf32>
      %swap3A_338 = vector.shape_cast %add3A_333 : vector<16xf32> to vector<1x16xf32>
      tpu.vector_store %arg7[%swap3A_334, %swap3A_335], %swap3A_338 {strides = array<i32>} : memref<128x128xf32, #tpu.memory_space<vmem>>, vector<1x16xf32>,
      %get3A_339 = arith.index_cast %scan3A_306 : i32 to index
      %get3A_340 = arith.constant 32 : index
      %get3A_341 = tpu.vector_load %arg5[%get3A_339, %get3A_340] {strides = array<i32>} : memref<128x128xf32, #tpu.memory_space<vmem>>, vector<1x16xf32>,
      %get3A_342 = vector.shape_cast %get3A_341 : vector<1x16xf32> to vector<16xf32>
      %mul3A_343 = arith.mulf %get3A_342, %get3A_131 : vector<16xf32>
      %get3A_344 = arith.index_cast %scan3A_306 : i32 to index
      %get3A_345 = arith.constant 96 : index
      %get3A_346 = tpu.vector_load %arg5[%get3A_344, %get3A_345] {strides = array<i32>} : memref<128x128xf32, #tpu.memory_space<vmem>>, vector<1x16xf32>,
      %get3A_347 = vector.shape_cast %get3A_346 : vector<1x16xf32> to vector<16xf32>
      %mul3A_348 = arith.mulf %get3A_347, %get3A_143 : vector<16xf32>
      %add3A_349 = arith.addf %mul3A_343, %mul3A_348 : vector<16xf32>
      %swap3A_350 = arith.index_cast %scan3A_306 : i32 to index
      %swap3A_351 = arith.constant 32 : index
      %swap3A_352 = tpu.vector_load %arg7[%swap3A_350, %swap3A_351] {strides = array<i32>} : memref<128x128xf32, #tpu.memory_space<vmem>>, vector<1x16xf32>,
      %swap3A_353 = vector.shape_cast %swap3A_352 : vector<1x16xf32> to vector<16xf32>
      %swap3A_354 = vector.shape_cast %add3A_349 : vector<16xf32> to vector<1x16xf32>
      tpu.vector_store %arg7[%swap3A_350, %swap3A_351], %swap3A_354 {strides = array<i32>} : memref<128x128xf32, #tpu.memory_space<vmem>>, vector<1x16xf32>,
      %get3A_355 = arith.index_cast %scan3A_306 : i32 to index
      %get3A_356 = arith.constant 48 : index
      %get3A_357 = tpu.vector_load %arg5[%get3A_355, %get3A_356] {strides = array<i32>} : memref<128x128xf32, #tpu.memory_space<vmem>>, vector<1x16xf32>,
      %get3A_358 = vector.shape_cast %get3A_357 : vector<1x16xf32> to vector<16xf32>
      %mul3A_359 = arith.mulf %get3A_358, %get3A_134 : vector<16xf32>
      %get3A_360 = arith.index_cast %scan3A_306 : i32 to index
      %get3A_361 = arith.constant 112 : index
      %get3A_362 = tpu.vector_load %arg5[%get3A_360, %get3A_361] {strides = array<i32>} : memref<128x128xf32, #tpu.memory_space<vmem>>, vector<1x16xf32>,
      %get3A_363 = vector.shape_cast %get3A_362 : vector<1x16xf32> to vector<16xf32>
      %mul3A_364 = arith.mulf %get3A_363, %get3A_146 : vector<16xf32>
      %add3A_365 = arith.addf %mul3A_359, %mul3A_364 : vector<16xf32>
      %swap3A_366 = arith.index_cast %scan3A_306 : i32 to index
      %swap3A_367 = arith.constant 48 : index
      %swap3A_368 = tpu.vector_load %arg7[%swap3A_366, %swap3A_367] {strides = array<i32>} : memref<128x128xf32, #tpu.memory_space<vmem>>, vector<1x16xf32>,
      %swap3A_369 = vector.shape_cast %swap3A_368 : vector<1x16xf32> to vector<16xf32>
      %swap3A_370 = vector.shape_cast %add3A_365 : vector<16xf32> to vector<1x16xf32>
      tpu.vector_store %arg7[%swap3A_366, %swap3A_367], %swap3A_370 {strides = array<i32>} : memref<128x128xf32, #tpu.memory_space<vmem>>, vector<1x16xf32>,
      %scan3A_371 = arith.constant 0 : i32
      scf.yield %scan3A_371 : i32
    }
    %scan3A_156 = arith.constant 128 : i32
    %add3A_157 = arith.constant 0 : i32
    %add3A_158 = arith.addi %mul3A_2, %add3A_157 : i32
    %dma_start3A_159 = arith.constant 0 : i32
    %dma_start3A_160 = tpu.memref_slice %arg4[%add3A_158, %dma_start3A_159] : memref<16384x1024xf32, #tpu.memory_space<hbm>> -> memref<128x128xf32, #tpu.memory_space<hbm>>
    %dma_start3A_161 = arith.constant 0 : i32
    %dma_start3A_162 = tpu.memref_slice %arg4[%add3A_158, %dma_start3A_161] : memref<16384x1024xf32, #tpu.memory_space<hbm>> -> memref<128x128xf32, #tpu.memory_space<hbm>>
    tpu.enqueue_dma source(%arg7 : memref<128x128xf32, #tpu.memory_space<vmem>>) target(%dma_start3A_162 : memref<128x128xf32, #tpu.memory_space<hbm>>) target_semaphore(%arg13 : memref<!tpu.dma_semaphore, #tpu.memory_space<semaphore_mem>>)
    %add3A_163 = arith.constant 256 : i32
    %add3A_164 = arith.addi %mul3A_2, %add3A_163 : i32
    %dma_start3A_165 = arith.constant 0 : i32
    %dma_start3A_166 = tpu.memref_slice %arg2[%add3A_164, %dma_start3A_165] : memref<16384x1024xf32, #tpu.memory_space<hbm>> -> memref<128x128xf32, #tpu.memory_space<hbm>>
    %dma_start3A_167 = arith.constant 0 : i32
    %dma_start3A_168 = tpu.memref_slice %arg2[%add3A_164, %dma_start3A_167] : memref<16384x1024xf32, #tpu.memory_space<hbm>> -> memref<128x128xf32, #tpu.memory_space<hbm>>
    tpu.enqueue_dma source(%dma_start3A_168 : memref<128x128xf32, #tpu.memory_space<hbm>>) target(%arg5 : memref<128x128xf32, #tpu.memory_space<vmem>>) target_semaphore(%arg11 : memref<!tpu.dma_semaphore, #tpu.memory_space<semaphore_mem>>)
    %dma_wait3A_169 = arith.constant 0 : i32
    %dma_wait3A_170 = tpu.memref_slice %arg2[%add3A_9, %dma_wait3A_169] : memref<16384x1024xf32, #tpu.memory_space<hbm>> -> memref<128x128xf32, #tpu.memory_space<hbm>>
    %dma_wait3A_171 = arith.constant 0 : i32
    %dma_wait3A_172 = tpu.memref_slice %arg2[%add3A_9, %dma_wait3A_171] : memref<16384x1024xf32, #tpu.memory_space<hbm>> -> memref<128x128xf32, #tpu.memory_space<hbm>>
    tpu.wait_dma2 semaphore(%arg12 : memref<!tpu.dma_semaphore, #tpu.memory_space<semaphore_mem>>) src(%dma_wait3A_172 : memref<128x128xf32, #tpu.memory_space<hbm>>) dst(%arg6 : memref<128x128xf32, #tpu.memory_space<vmem>>)
    %scan3A_173 = arith.constant 0 : i32
    %scan3A_174 = arith.constant 0 : i32
    %scan3A_175 = arith.constant 128 : i32
    %scan3A_176 = arith.addi %scan3A_174, %scan3A_175 : i32
    %scan3A_177 = arith.constant 1 : i32
    %scan3A_178 = scf.for %scan3A_306 = %scan3A_174 to %scan3A_176 step %scan3A_177 iter_args(%scan3A_307 = %scan3A_173) -> (i32)  : i32 {
      %get3A_308 = arith.index_cast %scan3A_306 : i32 to index
      %get3A_309 = arith.constant 0 : index
      %get3A_310 = tpu.vector_load %arg6[%get3A_308, %get3A_309] {strides = array<i32>} : memref<128x128xf32, #tpu.memory_space<vmem>>, vector<1x16xf32>,
      %get3A_311 = vector.shape_cast %get3A_310 : vector<1x16xf32> to vector<16xf32>
      %mul3A_312 = arith.mulf %get3A_311, %get3A_125 : vector<16xf32>
      %get3A_313 = arith.index_cast %scan3A_306 : i32 to index
      %get3A_314 = arith.constant 64 : index
      %get3A_315 = tpu.vector_load %arg6[%get3A_313, %get3A_314] {strides = array<i32>} : memref<128x128xf32, #tpu.memory_space<vmem>>, vector<1x16xf32>,
      %get3A_316 = vector.shape_cast %get3A_315 : vector<1x16xf32> to vector<16xf32>
      %mul3A_317 = arith.mulf %get3A_316, %get3A_137 : vector<16xf32>
      %add3A_318 = arith.addf %mul3A_312, %mul3A_317 : vector<16xf32>
      %swap3A = arith.index_cast %scan3A_306 : i32 to index
      %swap3A_319 = arith.constant 0 : index
      %swap3A_320 = tpu.vector_load %arg8[%swap3A, %swap3A_319] {strides = array<i32>} : memref<128x128xf32, #tpu.memory_space<vmem>>, vector<1x16xf32>,
      %swap3A_321 = vector.shape_cast %swap3A_320 : vector<1x16xf32> to vector<16xf32>
      %swap3A_322 = vector.shape_cast %add3A_318 : vector<16xf32> to vector<1x16xf32>
      tpu.vector_store %arg8[%swap3A, %swap3A_319], %swap3A_322 {strides = array<i32>} : memref<128x128xf32, #tpu.memory_space<vmem>>, vector<1x16xf32>,
      %get3A_323 = arith.index_cast %scan3A_306 : i32 to index
      %get3A_324 = arith.constant 16 : index
      %get3A_325 = tpu.vector_load %arg6[%get3A_323, %get3A_324] {strides = array<i32>} : memref<128x128xf32, #tpu.memory_space<vmem>>, vector<1x16xf32>,
      %get3A_326 = vector.shape_cast %get3A_325 : vector<1x16xf32> to vector<16xf32>
      %mul3A_327 = arith.mulf %get3A_326, %get3A_128 : vector<16xf32>
      %get3A_328 = arith.index_cast %scan3A_306 : i32 to index
      %get3A_329 = arith.constant 80 : index
      %get3A_330 = tpu.vector_load %arg6[%get3A_328, %get3A_329] {strides = array<i32>} : memref<128x128xf32, #tpu.memory_space<vmem>>, vector<1x16xf32>,
      %get3A_331 = vector.shape_cast %get3A_330 : vector<1x16xf32> to vector<16xf32>
      %mul3A_332 = arith.mulf %get3A_331, %get3A_140 : vector<16xf32>
      %add3A_333 = arith.addf %mul3A_327, %mul3A_332 : vector<16xf32>
      %swap3A_334 = arith.index_cast %scan3A_306 : i32 to index
      %swap3A_335 = arith.constant 16 : index
      %swap3A_336 = tpu.vector_load %arg8[%swap3A_334, %swap3A_335] {strides = array<i32>} : memref<128x128xf32, #tpu.memory_space<vmem>>, vector<1x16xf32>,
      %swap3A_337 = vector.shape_cast %swap3A_336 : vector<1x16xf32> to vector<16xf32>
      %swap3A_338 = vector.shape_cast %add3A_333 : vector<16xf32> to vector<1x16xf32>
      tpu.vector_store %arg8[%swap3A_334, %swap3A_335], %swap3A_338 {strides = array<i32>} : memref<128x128xf32, #tpu.memory_space<vmem>>, vector<1x16xf32>,
      %get3A_339 = arith.index_cast %scan3A_306 : i32 to index
      %get3A_340 = arith.constant 32 : index
      %get3A_341 = tpu.vector_load %arg6[%get3A_339, %get3A_340] {strides = array<i32>} : memref<128x128xf32, #tpu.memory_space<vmem>>, vector<1x16xf32>,
      %get3A_342 = vector.shape_cast %get3A_341 : vector<1x16xf32> to vector<16xf32>
      %mul3A_343 = arith.mulf %get3A_342, %get3A_131 : vector<16xf32>
      %get3A_344 = arith.index_cast %scan3A_306 : i32 to index
      %get3A_345 = arith.constant 96 : index
      %get3A_346 = tpu.vector_load %arg6[%get3A_344, %get3A_345] {strides = array<i32>} : memref<128x128xf32, #tpu.memory_space<vmem>>, vector<1x16xf32>,
      %get3A_347 = vector.shape_cast %get3A_346 : vector<1x16xf32> to vector<16xf32>
      %mul3A_348 = arith.mulf %get3A_347, %get3A_143 : vector<16xf32>
      %add3A_349 = arith.addf %mul3A_343, %mul3A_348 : vector<16xf32>
      %swap3A_350 = arith.index_cast %scan3A_306 : i32 to index
      %swap3A_351 = arith.constant 32 : index
      %swap3A_352 = tpu.vector_load %arg8[%swap3A_350, %swap3A_351] {strides = array<i32>} : memref<128x128xf32, #tpu.memory_space<vmem>>, vector<1x16xf32>,
      %swap3A_353 = vector.shape_cast %swap3A_352 : vector<1x16xf32> to vector<16xf32>
      %swap3A_354 = vector.shape_cast %add3A_349 : vector<16xf32> to vector<1x16xf32>
      tpu.vector_store %arg8[%swap3A_350, %swap3A_351], %swap3A_354 {strides = array<i32>} : memref<128x128xf32, #tpu.memory_space<vmem>>, vector<1x16xf32>,
      %get3A_355 = arith.index_cast %scan3A_306 : i32 to index
      %get3A_356 = arith.constant 48 : index
      %get3A_357 = tpu.vector_load %arg6[%get3A_355, %get3A_356] {strides = array<i32>} : memref<128x128xf32, #tpu.memory_space<vmem>>, vector<1x16xf32>,
      %get3A_358 = vector.shape_cast %get3A_357 : vector<1x16xf32> to vector<16xf32>
      %mul3A_359 = arith.mulf %get3A_358, %get3A_134 : vector<16xf32>
      %get3A_360 = arith.index_cast %scan3A_306 : i32 to index
      %get3A_361 = arith.constant 112 : index
      %get3A_362 = tpu.vector_load %arg6[%get3A_360, %get3A_361] {strides = array<i32>} : memref<128x128xf32, #tpu.memory_space<vmem>>, vector<1x16xf32>,
      %get3A_363 = vector.shape_cast %get3A_362 : vector<1x16xf32> to vector<16xf32>
      %mul3A_364 = arith.mulf %get3A_363, %get3A_146 : vector<16xf32>
      %add3A_365 = arith.addf %mul3A_359, %mul3A_364 : vector<16xf32>
      %swap3A_366 = arith.index_cast %scan3A_306 : i32 to index
      %swap3A_367 = arith.constant 48 : index
      %swap3A_368 = tpu.vector_load %arg8[%swap3A_366, %swap3A_367] {strides = array<i32>} : memref<128x128xf32, #tpu.memory_space<vmem>>, vector<1x16xf32>,
      %swap3A_369 = vector.shape_cast %swap3A_368 : vector<1x16xf32> to vector<16xf32>
      %swap3A_370 = vector.shape_cast %add3A_365 : vector<16xf32> to vector<1x16xf32>
      tpu.vector_store %arg8[%swap3A_366, %swap3A_367], %swap3A_370 {strides = array<i32>} : memref<128x128xf32, #tpu.memory_space<vmem>>, vector<1x16xf32>,
      %scan3A_371 = arith.constant 0 : i32
      scf.yield %scan3A_371 : i32
    }
    %scan3A_179 = arith.constant 128 : i32
    %add3A_180 = arith.constant 128 : i32
    %add3A_181 = arith.addi %mul3A_2, %add3A_180 : i32
    %dma_start3A_182 = arith.constant 0 : i32
    %dma_start3A_183 = tpu.memref_slice %arg4[%add3A_181, %dma_start3A_182] : memref<16384x1024xf32, #tpu.memory_space<hbm>> -> memref<128x128xf32, #tpu.memory_space<hbm>>
    %dma_start3A_184 = arith.constant 0 : i32
    %dma_start3A_185 = tpu.memref_slice %arg4[%add3A_181, %dma_start3A_184] : memref<16384x1024xf32, #tpu.memory_space<hbm>> -> memref<128x128xf32, #tpu.memory_space<hbm>>
    tpu.enqueue_dma source(%arg8 : memref<128x128xf32, #tpu.memory_space<vmem>>) target(%dma_start3A_185 : memref<128x128xf32, #tpu.memory_space<hbm>>) target_semaphore(%arg14 : memref<!tpu.dma_semaphore, #tpu.memory_space<semaphore_mem>>)
    %add3A_186 = arith.constant 384 : i32
    %add3A_187 = arith.addi %mul3A_2, %add3A_186 : i32
    %dma_start3A_188 = arith.constant 0 : i32
    %dma_start3A_189 = tpu.memref_slice %arg2[%add3A_187, %dma_start3A_188] : memref<16384x1024xf32, #tpu.memory_space<hbm>> -> memref<128x128xf32, #tpu.memory_space<hbm>>
    %dma_start3A_190 = arith.constant 0 : i32
    %dma_start3A_191 = tpu.memref_slice %arg2[%add3A_187, %dma_start3A_190] : memref<16384x1024xf32, #tpu.memory_space<hbm>> -> memref<128x128xf32, #tpu.memory_space<hbm>>
    tpu.enqueue_dma source(%dma_start3A_191 : memref<128x128xf32, #tpu.memory_space<hbm>>) target(%arg6 : memref<128x128xf32, #tpu.memory_space<vmem>>) target_semaphore(%arg12 : memref<!tpu.dma_semaphore, #tpu.memory_space<semaphore_mem>>)
    %dma_wait3A_192 = arith.constant 0 : i32
    %dma_wait3A_193 = tpu.memref_slice %arg2[%add3A_164, %dma_wait3A_192] : memref<16384x1024xf32, #tpu.memory_space<hbm>> -> memref<128x128xf32, #tpu.memory_space<hbm>>
    %dma_wait3A_194 = arith.constant 0 : i32
    %dma_wait3A_195 = tpu.memref_slice %arg2[%add3A_164, %dma_wait3A_194] : memref<16384x1024xf32, #tpu.memory_space<hbm>> -> memref<128x128xf32, #tpu.memory_space<hbm>>
    tpu.wait_dma2 semaphore(%arg11 : memref<!tpu.dma_semaphore, #tpu.memory_space<semaphore_mem>>) src(%dma_wait3A_195 : memref<128x128xf32, #tpu.memory_space<hbm>>) dst(%arg5 : memref<128x128xf32, #tpu.memory_space<vmem>>)
    %dma_wait3A_196 = arith.constant 0 : i32
    %dma_wait3A_197 = tpu.memref_slice %arg4[%add3A_158, %dma_wait3A_196] : memref<16384x1024xf32, #tpu.memory_space<hbm>> -> memref<128x128xf32, #tpu.memory_space<hbm>>
    %dma_wait3A_198 = arith.constant 0 : i32
    %dma_wait3A_199 = tpu.memref_slice %arg4[%add3A_158, %dma_wait3A_198] : memref<16384x1024xf32, #tpu.memory_space<hbm>> -> memref<128x128xf32, #tpu.memory_space<hbm>>
    tpu.wait_dma2 semaphore(%arg13 : memref<!tpu.dma_semaphore, #tpu.memory_space<semaphore_mem>>) src(%arg7 : memref<128x128xf32, #tpu.memory_space<vmem>>) dst(%dma_wait3A_199 : memref<128x128xf32, #tpu.memory_space<hbm>>)
    %scan3A_200 = arith.constant 0 : i32
    %scan3A_201 = arith.constant 0 : i32
    %scan3A_202 = arith.constant 128 : i32
    %scan3A_203 = arith.addi %scan3A_201, %scan3A_202 : i32
    %scan3A_204 = arith.constant 1 : i32
    %scan3A_205 = scf.for %scan3A_306 = %scan3A_201 to %scan3A_203 step %scan3A_204 iter_args(%scan3A_307 = %scan3A_200) -> (i32)  : i32 {
      %get3A_308 = arith.index_cast %scan3A_306 : i32 to index
      %get3A_309 = arith.constant 0 : index
      %get3A_310 = tpu.vector_load %arg5[%get3A_308, %get3A_309] {strides = array<i32>} : memref<128x128xf32, #tpu.memory_space<vmem>>, vector<1x16xf32>,
      %get3A_311 = vector.shape_cast %get3A_310 : vector<1x16xf32> to vector<16xf32>
      %mul3A_312 = arith.mulf %get3A_311, %get3A_125 : vector<16xf32>
      %get3A_313 = arith.index_cast %scan3A_306 : i32 to index
      %get3A_314 = arith.constant 64 : index
      %get3A_315 = tpu.vector_load %arg5[%get3A_313, %get3A_314] {strides = array<i32>} : memref<128x128xf32, #tpu.memory_space<vmem>>, vector<1x16xf32>,
      %get3A_316 = vector.shape_cast %get3A_315 : vector<1x16xf32> to vector<16xf32>
      %mul3A_317 = arith.mulf %get3A_316, %get3A_137 : vector<16xf32>
      %add3A_318 = arith.addf %mul3A_312, %mul3A_317 : vector<16xf32>
      %swap3A = arith.index_cast %scan3A_306 : i32 to index
      %swap3A_319 = arith.constant 0 : index
      %swap3A_320 = tpu.vector_load %arg7[%swap3A, %swap3A_319] {strides = array<i32>} : memref<128x128xf32, #tpu.memory_space<vmem>>, vector<1x16xf32>,
      %swap3A_321 = vector.shape_cast %swap3A_320 : vector<1x16xf32> to vector<16xf32>
      %swap3A_322 = vector.shape_cast %add3A_318 : vector<16xf32> to vector<1x16xf32>
      tpu.vector_store %arg7[%swap3A, %swap3A_319], %swap3A_322 {strides = array<i32>} : memref<128x128xf32, #tpu.memory_space<vmem>>, vector<1x16xf32>,
      %get3A_323 = arith.index_cast %scan3A_306 : i32 to index
      %get3A_324 = arith.constant 16 : index
      %get3A_325 = tpu.vector_load %arg5[%get3A_323, %get3A_324] {strides = array<i32>} : memref<128x128xf32, #tpu.memory_space<vmem>>, vector<1x16xf32>,
      %get3A_326 = vector.shape_cast %get3A_325 : vector<1x16xf32> to vector<16xf32>
      %mul3A_327 = arith.mulf %get3A_326, %get3A_128 : vector<16xf32>
      %get3A_328 = arith.index_cast %scan3A_306 : i32 to index
      %get3A_329 = arith.constant 80 : index
      %get3A_330 = tpu.vector_load %arg5[%get3A_328, %get3A_329] {strides = array<i32>} : memref<128x128xf32, #tpu.memory_space<vmem>>, vector<1x16xf32>,
      %get3A_331 = vector.shape_cast %get3A_330 : vector<1x16xf32> to vector<16xf32>
      %mul3A_332 = arith.mulf %get3A_331, %get3A_140 : vector<16xf32>
      %add3A_333 = arith.addf %mul3A_327, %mul3A_332 : vector<16xf32>
      %swap3A_334 = arith.index_cast %scan3A_306 : i32 to index
      %swap3A_335 = arith.constant 16 : index
      %swap3A_336 = tpu.vector_load %arg7[%swap3A_334, %swap3A_335] {strides = array<i32>} : memref<128x128xf32, #tpu.memory_space<vmem>>, vector<1x16xf32>,
      %swap3A_337 = vector.shape_cast %swap3A_336 : vector<1x16xf32> to vector<16xf32>
      %swap3A_338 = vector.shape_cast %add3A_333 : vector<16xf32> to vector<1x16xf32>
      tpu.vector_store %arg7[%swap3A_334, %swap3A_335], %swap3A_338 {strides = array<i32>} : memref<128x128xf32, #tpu.memory_space<vmem>>, vector<1x16xf32>,
      %get3A_339 = arith.index_cast %scan3A_306 : i32 to index
      %get3A_340 = arith.constant 32 : index
      %get3A_341 = tpu.vector_load %arg5[%get3A_339, %get3A_340] {strides = array<i32>} : memref<128x128xf32, #tpu.memory_space<vmem>>, vector<1x16xf32>,
      %get3A_342 = vector.shape_cast %get3A_341 : vector<1x16xf32> to vector<16xf32>
      %mul3A_343 = arith.mulf %get3A_342, %get3A_131 : vector<16xf32>
      %get3A_344 = arith.index_cast %scan3A_306 : i32 to index
      %get3A_345 = arith.constant 96 : index
      %get3A_346 = tpu.vector_load %arg5[%get3A_344, %get3A_345] {strides = array<i32>} : memref<128x128xf32, #tpu.memory_space<vmem>>, vector<1x16xf32>,
      %get3A_347 = vector.shape_cast %get3A_346 : vector<1x16xf32> to vector<16xf32>
      %mul3A_348 = arith.mulf %get3A_347, %get3A_143 : vector<16xf32>
      %add3A_349 = arith.addf %mul3A_343, %mul3A_348 : vector<16xf32>
      %swap3A_350 = arith.index_cast %scan3A_306 : i32 to index
      %swap3A_351 = arith.constant 32 : index
      %swap3A_352 = tpu.vector_load %arg7[%swap3A_350, %swap3A_351] {strides = array<i32>} : memref<128x128xf32, #tpu.memory_space<vmem>>, vector<1x16xf32>,
      %swap3A_353 = vector.shape_cast %swap3A_352 : vector<1x16xf32> to vector<16xf32>
      %swap3A_354 = vector.shape_cast %add3A_349 : vector<16xf32> to vector<1x16xf32>
      tpu.vector_store %arg7[%swap3A_350, %swap3A_351], %swap3A_354 {strides = array<i32>} : memref<128x128xf32, #tpu.memory_space<vmem>>, vector<1x16xf32>,
      %get3A_355 = arith.index_cast %scan3A_306 : i32 to index
      %get3A_356 = arith.constant 48 : index
      %get3A_357 = tpu.vector_load %arg5[%get3A_355, %get3A_356] {strides = array<i32>} : memref<128x128xf32, #tpu.memory_space<vmem>>, vector<1x16xf32>,
      %get3A_358 = vector.shape_cast %get3A_357 : vector<1x16xf32> to vector<16xf32>
      %mul3A_359 = arith.mulf %get3A_358, %get3A_134 : vector<16xf32>
      %get3A_360 = arith.index_cast %scan3A_306 : i32 to index
      %get3A_361 = arith.constant 112 : index
      %get3A_362 = tpu.vector_load %arg5[%get3A_360, %get3A_361] {strides = array<i32>} : memref<128x128xf32, #tpu.memory_space<vmem>>, vector<1x16xf32>,
      %get3A_363 = vector.shape_cast %get3A_362 : vector<1x16xf32> to vector<16xf32>
      %mul3A_364 = arith.mulf %get3A_363, %get3A_146 : vector<16xf32>
      %add3A_365 = arith.addf %mul3A_359, %mul3A_364 : vector<16xf32>
      %swap3A_366 = arith.index_cast %scan3A_306 : i32 to index
      %swap3A_367 = arith.constant 48 : index
      %swap3A_368 = tpu.vector_load %arg7[%swap3A_366, %swap3A_367] {strides = array<i32>} : memref<128x128xf32, #tpu.memory_space<vmem>>, vector<1x16xf32>,
      %swap3A_369 = vector.shape_cast %swap3A_368 : vector<1x16xf32> to vector<16xf32>
      %swap3A_370 = vector.shape_cast %add3A_365 : vector<16xf32> to vector<1x16xf32>
      tpu.vector_store %arg7[%swap3A_366, %swap3A_367], %swap3A_370 {strides = array<i32>} : memref<128x128xf32, #tpu.memory_space<vmem>>, vector<1x16xf32>,
      %scan3A_371 = arith.constant 0 : i32
      scf.yield %scan3A_371 : i32
    }
    %scan3A_206 = arith.constant 128 : i32
    %add3A_207 = arith.constant 256 : i32
    %add3A_208 = arith.addi %mul3A_2, %add3A_207 : i32
    %dma_start3A_209 = arith.constant 0 : i32
    %dma_start3A_210 = tpu.memref_slice %arg4[%add3A_208, %dma_start3A_209] : memref<16384x1024xf32, #tpu.memory_space<hbm>> -> memref<128x128xf32, #tpu.memory_space<hbm>>
    %dma_start3A_211 = arith.constant 0 : i32
    %dma_start3A_212 = tpu.memref_slice %arg4[%add3A_208, %dma_start3A_211] : memref<16384x1024xf32, #tpu.memory_space<hbm>> -> memref<128x128xf32, #tpu.memory_space<hbm>>
    tpu.enqueue_dma source(%arg7 : memref<128x128xf32, #tpu.memory_space<vmem>>) target(%dma_start3A_212 : memref<128x128xf32, #tpu.memory_space<hbm>>) target_semaphore(%arg13 : memref<!tpu.dma_semaphore, #tpu.memory_space<semaphore_mem>>)
    %dma_wait3A_213 = arith.constant 0 : i32
    %dma_wait3A_214 = tpu.memref_slice %arg2[%add3A_187, %dma_wait3A_213] : memref<16384x1024xf32, #tpu.memory_space<hbm>> -> memref<128x128xf32, #tpu.memory_space<hbm>>
    %dma_wait3A_215 = arith.constant 0 : i32
    %dma_wait3A_216 = tpu.memref_slice %arg2[%add3A_187, %dma_wait3A_215] : memref<16384x1024xf32, #tpu.memory_space<hbm>> -> memref<128x128xf32, #tpu.memory_space<hbm>>
    tpu.wait_dma2 semaphore(%arg12 : memref<!tpu.dma_semaphore, #tpu.memory_space<semaphore_mem>>) src(%dma_wait3A_216 : memref<128x128xf32, #tpu.memory_space<hbm>>) dst(%arg6 : memref<128x128xf32, #tpu.memory_space<vmem>>)
    %dma_wait3A_217 = arith.constant 0 : i32
    %dma_wait3A_218 = tpu.memref_slice %arg4[%add3A_181, %dma_wait3A_217] : memref<16384x1024xf32, #tpu.memory_space<hbm>> -> memref<128x128xf32, #tpu.memory_space<hbm>>
    %dma_wait3A_219 = arith.constant 0 : i32
    %dma_wait3A_220 = tpu.memref_slice %arg4[%add3A_181, %dma_wait3A_219] : memref<16384x1024xf32, #tpu.memory_space<hbm>> -> memref<128x128xf32, #tpu.memory_space<hbm>>
    tpu.wait_dma2 semaphore(%arg14 : memref<!tpu.dma_semaphore, #tpu.memory_space<semaphore_mem>>) src(%arg8 : memref<128x128xf32, #tpu.memory_space<vmem>>) dst(%dma_wait3A_220 : memref<128x128xf32, #tpu.memory_space<hbm>>)
    %scan3A_221 = arith.constant 0 : i32
    %scan3A_222 = arith.constant 0 : i32
    %scan3A_223 = arith.constant 128 : i32
    %scan3A_224 = arith.addi %scan3A_222, %scan3A_223 : i32
    %scan3A_225 = arith.constant 1 : i32
    %scan3A_226 = scf.for %scan3A_306 = %scan3A_222 to %scan3A_224 step %scan3A_225 iter_args(%scan3A_307 = %scan3A_221) -> (i32)  : i32 {
      %get3A_308 = arith.index_cast %scan3A_306 : i32 to index
      %get3A_309 = arith.constant 0 : index
      %get3A_310 = tpu.vector_load %arg6[%get3A_308, %get3A_309] {strides = array<i32>} : memref<128x128xf32, #tpu.memory_space<vmem>>, vector<1x16xf32>,
      %get3A_311 = vector.shape_cast %get3A_310 : vector<1x16xf32> to vector<16xf32>
      %mul3A_312 = arith.mulf %get3A_311, %get3A_125 : vector<16xf32>
      %get3A_313 = arith.index_cast %scan3A_306 : i32 to index
      %get3A_314 = arith.constant 64 : index
      %get3A_315 = tpu.vector_load %arg6[%get3A_313, %get3A_314] {strides = array<i32>} : memref<128x128xf32, #tpu.memory_space<vmem>>, vector<1x16xf32>,
      %get3A_316 = vector.shape_cast %get3A_315 : vector<1x16xf32> to vector<16xf32>
      %mul3A_317 = arith.mulf %get3A_316, %get3A_137 : vector<16xf32>
      %add3A_318 = arith.addf %mul3A_312, %mul3A_317 : vector<16xf32>
      %swap3A = arith.index_cast %scan3A_306 : i32 to index
      %swap3A_319 = arith.constant 0 : index
      %swap3A_320 = tpu.vector_load %arg8[%swap3A, %swap3A_319] {strides = array<i32>} : memref<128x128xf32, #tpu.memory_space<vmem>>, vector<1x16xf32>,
      %swap3A_321 = vector.shape_cast %swap3A_320 : vector<1x16xf32> to vector<16xf32>
      %swap3A_322 = vector.shape_cast %add3A_318 : vector<16xf32> to vector<1x16xf32>
      tpu.vector_store %arg8[%swap3A, %swap3A_319], %swap3A_322 {strides = array<i32>} : memref<128x128xf32, #tpu.memory_space<vmem>>, vector<1x16xf32>,
      %get3A_323 = arith.index_cast %scan3A_306 : i32 to index
      %get3A_324 = arith.constant 16 : index
      %get3A_325 = tpu.vector_load %arg6[%get3A_323, %get3A_324] {strides = array<i32>} : memref<128x128xf32, #tpu.memory_space<vmem>>, vector<1x16xf32>,
      %get3A_326 = vector.shape_cast %get3A_325 : vector<1x16xf32> to vector<16xf32>
      %mul3A_327 = arith.mulf %get3A_326, %get3A_128 : vector<16xf32>
      %get3A_328 = arith.index_cast %scan3A_306 : i32 to index
      %get3A_329 = arith.constant 80 : index
      %get3A_330 = tpu.vector_load %arg6[%get3A_328, %get3A_329] {strides = array<i32>} : memref<128x128xf32, #tpu.memory_space<vmem>>, vector<1x16xf32>,
      %get3A_331 = vector.shape_cast %get3A_330 : vector<1x16xf32> to vector<16xf32>
      %mul3A_332 = arith.mulf %get3A_331, %get3A_140 : vector<16xf32>
      %add3A_333 = arith.addf %mul3A_327, %mul3A_332 : vector<16xf32>
      %swap3A_334 = arith.index_cast %scan3A_306 : i32 to index
      %swap3A_335 = arith.constant 16 : index
      %swap3A_336 = tpu.vector_load %arg8[%swap3A_334, %swap3A_335] {strides = array<i32>} : memref<128x128xf32, #tpu.memory_space<vmem>>, vector<1x16xf32>,
      %swap3A_337 = vector.shape_cast %swap3A_336 : vector<1x16xf32> to vector<16xf32>
      %swap3A_338 = vector.shape_cast %add3A_333 : vector<16xf32> to vector<1x16xf32>
      tpu.vector_store %arg8[%swap3A_334, %swap3A_335], %swap3A_338 {strides = array<i32>} : memref<128x128xf32, #tpu.memory_space<vmem>>, vector<1x16xf32>,
      %get3A_339 = arith.index_cast %scan3A_306 : i32 to index
      %get3A_340 = arith.constant 32 : index
      %get3A_341 = tpu.vector_load %arg6[%get3A_339, %get3A_340] {strides = array<i32>} : memref<128x128xf32, #tpu.memory_space<vmem>>, vector<1x16xf32>,
      %get3A_342 = vector.shape_cast %get3A_341 : vector<1x16xf32> to vector<16xf32>
      %mul3A_343 = arith.mulf %get3A_342, %get3A_131 : vector<16xf32>
      %get3A_344 = arith.index_cast %scan3A_306 : i32 to index
      %get3A_345 = arith.constant 96 : index
      %get3A_346 = tpu.vector_load %arg6[%get3A_344, %get3A_345] {strides = array<i32>} : memref<128x128xf32, #tpu.memory_space<vmem>>, vector<1x16xf32>,
      %get3A_347 = vector.shape_cast %get3A_346 : vector<1x16xf32> to vector<16xf32>
      %mul3A_348 = arith.mulf %get3A_347, %get3A_143 : vector<16xf32>
      %add3A_349 = arith.addf %mul3A_343, %mul3A_348 : vector<16xf32>
      %swap3A_350 = arith.index_cast %scan3A_306 : i32 to index
      %swap3A_351 = arith.constant 32 : index
      %swap3A_352 = tpu.vector_load %arg8[%swap3A_350, %swap3A_351] {strides = array<i32>} : memref<128x128xf32, #tpu.memory_space<vmem>>, vector<1x16xf32>,
      %swap3A_353 = vector.shape_cast %swap3A_352 : vector<1x16xf32> to vector<16xf32>
      %swap3A_354 = vector.shape_cast %add3A_349 : vector<16xf32> to vector<1x16xf32>
      tpu.vector_store %arg8[%swap3A_350, %swap3A_351], %swap3A_354 {strides = array<i32>} : memref<128x128xf32, #tpu.memory_space<vmem>>, vector<1x16xf32>,
      %get3A_355 = arith.index_cast %scan3A_306 : i32 to index
      %get3A_356 = arith.constant 48 : index
      %get3A_357 = tpu.vector_load %arg6[%get3A_355, %get3A_356] {strides = array<i32>} : memref<128x128xf32, #tpu.memory_space<vmem>>, vector<1x16xf32>,
      %get3A_358 = vector.shape_cast %get3A_357 : vector<1x16xf32> to vector<16xf32>
      %mul3A_359 = arith.mulf %get3A_358, %get3A_134 : vector<16xf32>
      %get3A_360 = arith.index_cast %scan3A_306 : i32 to index
      %get3A_361 = arith.constant 112 : index
      %get3A_362 = tpu.vector_load %arg6[%get3A_360, %get3A_361] {strides = array<i32>} : memref<128x128xf32, #tpu.memory_space<vmem>>, vector<1x16xf32>,
      %get3A_363 = vector.shape_cast %get3A_362 : vector<1x16xf32> to vector<16xf32>
      %mul3A_364 = arith.mulf %get3A_363, %get3A_146 : vector<16xf32>
      %add3A_365 = arith.addf %mul3A_359, %mul3A_364 : vector<16xf32>
      %swap3A_366 = arith.index_cast %scan3A_306 : i32 to index
      %swap3A_367 = arith.constant 48 : index
      %swap3A_368 = tpu.vector_load %arg8[%swap3A_366, %swap3A_367] {strides = array<i32>} : memref<128x128xf32, #tpu.memory_space<vmem>>, vector<1x16xf32>,
      %swap3A_369 = vector.shape_cast %swap3A_368 : vector<1x16xf32> to vector<16xf32>
      %swap3A_370 = vector.shape_cast %add3A_365 : vector<16xf32> to vector<1x16xf32>
      tpu.vector_store %arg8[%swap3A_366, %swap3A_367], %swap3A_370 {strides = array<i32>} : memref<128x128xf32, #tpu.memory_space<vmem>>, vector<1x16xf32>,
      %scan3A_371 = arith.constant 0 : i32
      scf.yield %scan3A_371 : i32
    }
    %scan3A_227 = arith.constant 128 : i32
    %add3A_228 = arith.constant 384 : i32
    %add3A_229 = arith.addi %mul3A_2, %add3A_228 : i32
    %dma_start3A_230 = arith.constant 0 : i32
    %dma_start3A_231 = tpu.memref_slice %arg4[%add3A_229, %dma_start3A_230] : memref<16384x1024xf32, #tpu.memory_space<hbm>> -> memref<128x128xf32, #tpu.memory_space<hbm>>
    %dma_start3A_232 = arith.constant 0 : i32
    %dma_start3A_233 = tpu.memref_slice %arg4[%add3A_229, %dma_start3A_232] : memref<16384x1024xf32, #tpu.memory_space<hbm>> -> memref<128x128xf32, #tpu.memory_space<hbm>>
    tpu.enqueue_dma source(%arg8 : memref<128x128xf32, #tpu.memory_space<vmem>>) target(%dma_start3A_233 : memref<128x128xf32, #tpu.memory_space<hbm>>) target_semaphore(%arg14 : memref<!tpu.dma_semaphore, #tpu.memory_space<semaphore_mem>>)
    %dma_wait3A_234 = arith.constant 0 : i32
    %dma_wait3A_235 = tpu.memref_slice %arg4[%add3A_208, %dma_wait3A_234] : memref<16384x1024xf32, #tpu.memory_space<hbm>> -> memref<128x128xf32, #tpu.memory_space<hbm>>
    %dma_wait3A_236 = arith.constant 0 : i32
    %dma_wait3A_237 = tpu.memref_slice %arg4[%add3A_208, %dma_wait3A_236] : memref<16384x1024xf32, #tpu.memory_space<hbm>> -> memref<128x128xf32, #tpu.memory_space<hbm>>
    tpu.wait_dma2 semaphore(%arg13 : memref<!tpu.dma_semaphore, #tpu.memory_space<semaphore_mem>>) src(%arg7 : memref<128x128xf32, #tpu.memory_space<vmem>>) dst(%dma_wait3A_237 : memref<128x128xf32, #tpu.memory_space<hbm>>)
    %dma_wait3A_238 = arith.constant 0 : i32
    %dma_wait3A_239 = tpu.memref_slice %arg4[%add3A_229, %dma_wait3A_238] : memref<16384x1024xf32, #tpu.memory_space<hbm>> -> memref<128x128xf32, #tpu.memory_space<hbm>>
    %dma_wait3A_240 = arith.constant 0 : i32
    %dma_wait3A_241 = tpu.memref_slice %arg4[%add3A_229, %dma_wait3A_240] : memref<16384x1024xf32, #tpu.memory_space<hbm>> -> memref<128x128xf32, #tpu.memory_space<hbm>>
    tpu.wait_dma2 semaphore(%arg14 : memref<!tpu.dma_semaphore, #tpu.memory_space<semaphore_mem>>) src(%arg8 : memref<128x128xf32, #tpu.memory_space<vmem>>) dst(%dma_wait3A_241 : memref<128x128xf32, #tpu.memory_space<hbm>>)
    %dma_wait3A_242 = arith.constant 128 : i32
    %dma_wait3A_243 = tpu.memref_slice %arg4[%add3A_22, %dma_wait3A_242] : memref<16384x1024xf32, #tpu.memory_space<hbm>> -> memref<32x896xf32, #tpu.memory_space<hbm>>
    %dma_wait3A_244 = arith.constant 128 : i32
    %dma_wait3A_245 = tpu.memref_slice %arg4[%add3A_22, %dma_wait3A_244] : memref<16384x1024xf32, #tpu.memory_space<hbm>> -> memref<32x896xf32, #tpu.memory_space<hbm>>
    tpu.wait_dma2 semaphore(%arg15 : memref<!tpu.dma_semaphore, #tpu.memory_space<semaphore_mem>>) src(%arg9 : memref<32x896xf32, #tpu.memory_space<vmem>>) dst(%dma_wait3A_245 : memref<32x896xf32, #tpu.memory_space<hbm>>)
    %dma_wait3A_246 = arith.constant 128 : i32
    %dma_wait3A_247 = tpu.memref_slice %arg4[%add3A_28, %dma_wait3A_246] : memref<16384x1024xf32, #tpu.memory_space<hbm>> -> memref<32x896xf32, #tpu.memory_space<hbm>>
    %dma_wait3A_248 = arith.constant 128 : i32
    %dma_wait3A_249 = tpu.memref_slice %arg4[%add3A_28, %dma_wait3A_248] : memref<16384x1024xf32, #tpu.memory_space<hbm>> -> memref<32x896xf32, #tpu.memory_space<hbm>>
    tpu.wait_dma2 semaphore(%arg15 : memref<!tpu.dma_semaphore, #tpu.memory_space<semaphore_mem>>) src(%arg9 : memref<32x896xf32, #tpu.memory_space<vmem>>) dst(%dma_wait3A_249 : memref<32x896xf32, #tpu.memory_space<hbm>>)
    %dma_wait3A_250 = arith.constant 128 : i32
    %dma_wait3A_251 = tpu.memref_slice %arg4[%add3A_34, %dma_wait3A_250] : memref<16384x1024xf32, #tpu.memory_space<hbm>> -> memref<32x896xf32, #tpu.memory_space<hbm>>
    %dma_wait3A_252 = arith.constant 128 : i32
    %dma_wait3A_253 = tpu.memref_slice %arg4[%add3A_34, %dma_wait3A_252] : memref<16384x1024xf32, #tpu.memory_space<hbm>> -> memref<32x896xf32, #tpu.memory_space<hbm>>
    tpu.wait_dma2 semaphore(%arg15 : memref<!tpu.dma_semaphore, #tpu.memory_space<semaphore_mem>>) src(%arg9 : memref<32x896xf32, #tpu.memory_space<vmem>>) dst(%dma_wait3A_253 : memref<32x896xf32, #tpu.memory_space<hbm>>)
    %dma_wait3A_254 = arith.constant 128 : i32
    %dma_wait3A_255 = tpu.memref_slice %arg4[%add3A_40, %dma_wait3A_254] : memref<16384x1024xf32, #tpu.memory_space<hbm>> -> memref<32x896xf32, #tpu.memory_space<hbm>>
    %dma_wait3A_256 = arith.constant 128 : i32
    %dma_wait3A_257 = tpu.memref_slice %arg4[%add3A_40, %dma_wait3A_256] : memref<16384x1024xf32, #tpu.memory_space<hbm>> -> memref<32x896xf32, #tpu.memory_space<hbm>>
    tpu.wait_dma2 semaphore(%arg15 : memref<!tpu.dma_semaphore, #tpu.memory_space<semaphore_mem>>) src(%arg9 : memref<32x896xf32, #tpu.memory_space<vmem>>) dst(%dma_wait3A_257 : memref<32x896xf32, #tpu.memory_space<hbm>>)
    %dma_wait3A_258 = arith.constant 128 : i32
    %dma_wait3A_259 = tpu.memref_slice %arg4[%add3A_46, %dma_wait3A_258] : memref<16384x1024xf32, #tpu.memory_space<hbm>> -> memref<32x896xf32, #tpu.memory_space<hbm>>
    %dma_wait3A_260 = arith.constant 128 : i32
    %dma_wait3A_261 = tpu.memref_slice %arg4[%add3A_46, %dma_wait3A_260] : memref<16384x1024xf32, #tpu.memory_space<hbm>> -> memref<32x896xf32, #tpu.memory_space<hbm>>
    tpu.wait_dma2 semaphore(%arg15 : memref<!tpu.dma_semaphore, #tpu.memory_space<semaphore_mem>>) src(%arg9 : memref<32x896xf32, #tpu.memory_space<vmem>>) dst(%dma_wait3A_261 : memref<32x896xf32, #tpu.memory_space<hbm>>)
    %dma_wait3A_262 = arith.constant 128 : i32
    %dma_wait3A_263 = tpu.memref_slice %arg4[%add3A_52, %dma_wait3A_262] : memref<16384x1024xf32, #tpu.memory_space<hbm>> -> memref<32x896xf32, #tpu.memory_space<hbm>>
    %dma_wait3A_264 = arith.constant 128 : i32
    %dma_wait3A_265 = tpu.memref_slice %arg4[%add3A_52, %dma_wait3A_264] : memref<16384x1024xf32, #tpu.memory_space<hbm>> -> memref<32x896xf32, #tpu.memory_space<hbm>>
    tpu.wait_dma2 semaphore(%arg15 : memref<!tpu.dma_semaphore, #tpu.memory_space<semaphore_mem>>) src(%arg9 : memref<32x896xf32, #tpu.memory_space<vmem>>) dst(%dma_wait3A_265 : memref<32x896xf32, #tpu.memory_space<hbm>>)
    %dma_wait3A_266 = arith.constant 128 : i32
    %dma_wait3A_267 = tpu.memref_slice %arg4[%add3A_58, %dma_wait3A_266] : memref<16384x1024xf32, #tpu.memory_space<hbm>> -> memref<32x896xf32, #tpu.memory_space<hbm>>
    %dma_wait3A_268 = arith.constant 128 : i32
    %dma_wait3A_269 = tpu.memref_slice %arg4[%add3A_58, %dma_wait3A_268] : memref<16384x1024xf32, #tpu.memory_space<hbm>> -> memref<32x896xf32, #tpu.memory_space<hbm>>
    tpu.wait_dma2 semaphore(%arg15 : memref<!tpu.dma_semaphore, #tpu.memory_space<semaphore_mem>>) src(%arg9 : memref<32x896xf32, #tpu.memory_space<vmem>>) dst(%dma_wait3A_269 : memref<32x896xf32, #tpu.memory_space<hbm>>)
    %dma_wait3A_270 = arith.constant 128 : i32
    %dma_wait3A_271 = tpu.memref_slice %arg4[%add3A_64, %dma_wait3A_270] : memref<16384x1024xf32, #tpu.memory_space<hbm>> -> memref<32x896xf32, #tpu.memory_space<hbm>>
    %dma_wait3A_272 = arith.constant 128 : i32
    %dma_wait3A_273 = tpu.memref_slice %arg4[%add3A_64, %dma_wait3A_272] : memref<16384x1024xf32, #tpu.memory_space<hbm>> -> memref<32x896xf32, #tpu.memory_space<hbm>>
    tpu.wait_dma2 semaphore(%arg15 : memref<!tpu.dma_semaphore, #tpu.memory_space<semaphore_mem>>) src(%arg9 : memref<32x896xf32, #tpu.memory_space<vmem>>) dst(%dma_wait3A_273 : memref<32x896xf32, #tpu.memory_space<hbm>>)
    %dma_wait3A_274 = arith.constant 128 : i32
    %dma_wait3A_275 = tpu.memref_slice %arg4[%add3A_70, %dma_wait3A_274] : memref<16384x1024xf32, #tpu.memory_space<hbm>> -> memref<32x896xf32, #tpu.memory_space<hbm>>
    %dma_wait3A_276 = arith.constant 128 : i32
    %dma_wait3A_277 = tpu.memref_slice %arg4[%add3A_70, %dma_wait3A_276] : memref<16384x1024xf32, #tpu.memory_space<hbm>> -> memref<32x896xf32, #tpu.memory_space<hbm>>
    tpu.wait_dma2 semaphore(%arg15 : memref<!tpu.dma_semaphore, #tpu.memory_space<semaphore_mem>>) src(%arg9 : memref<32x896xf32, #tpu.memory_space<vmem>>) dst(%dma_wait3A_277 : memref<32x896xf32, #tpu.memory_space<hbm>>)
    %dma_wait3A_278 = arith.constant 128 : i32
    %dma_wait3A_279 = tpu.memref_slice %arg4[%add3A_76, %dma_wait3A_278] : memref<16384x1024xf32, #tpu.memory_space<hbm>> -> memref<32x896xf32, #tpu.memory_space<hbm>>
    %dma_wait3A_280 = arith.constant 128 : i32
    %dma_wait3A_281 = tpu.memref_slice %arg4[%add3A_76, %dma_wait3A_280] : memref<16384x1024xf32, #tpu.memory_space<hbm>> -> memref<32x896xf32, #tpu.memory_space<hbm>>
    tpu.wait_dma2 semaphore(%arg15 : memref<!tpu.dma_semaphore, #tpu.memory_space<semaphore_mem>>) src(%arg9 : memref<32x896xf32, #tpu.memory_space<vmem>>) dst(%dma_wait3A_281 : memref<32x896xf32, #tpu.memory_space<hbm>>)
    %dma_wait3A_282 = arith.constant 128 : i32
    %dma_wait3A_283 = tpu.memref_slice %arg4[%add3A_82, %dma_wait3A_282] : memref<16384x1024xf32, #tpu.memory_space<hbm>> -> memref<32x896xf32, #tpu.memory_space<hbm>>
    %dma_wait3A_284 = arith.constant 128 : i32
    %dma_wait3A_285 = tpu.memref_slice %arg4[%add3A_82, %dma_wait3A_284] : memref<16384x1024xf32, #tpu.memory_space<hbm>> -> memref<32x896xf32, #tpu.memory_space<hbm>>
    tpu.wait_dma2 semaphore(%arg15 : memref<!tpu.dma_semaphore, #tpu.memory_space<semaphore_mem>>) src(%arg9 : memref<32x896xf32, #tpu.memory_space<vmem>>) dst(%dma_wait3A_285 : memref<32x896xf32, #tpu.memory_space<hbm>>)
    %dma_wait3A_286 = arith.constant 128 : i32
    %dma_wait3A_287 = tpu.memref_slice %arg4[%add3A_88, %dma_wait3A_286] : memref<16384x1024xf32, #tpu.memory_space<hbm>> -> memref<32x896xf32, #tpu.memory_space<hbm>>
    %dma_wait3A_288 = arith.constant 128 : i32
    %dma_wait3A_289 = tpu.memref_slice %arg4[%add3A_88, %dma_wait3A_288] : memref<16384x1024xf32, #tpu.memory_space<hbm>> -> memref<32x896xf32, #tpu.memory_space<hbm>>
    tpu.wait_dma2 semaphore(%arg15 : memref<!tpu.dma_semaphore, #tpu.memory_space<semaphore_mem>>) src(%arg9 : memref<32x896xf32, #tpu.memory_space<vmem>>) dst(%dma_wait3A_289 : memref<32x896xf32, #tpu.memory_space<hbm>>)
    %dma_wait3A_290 = arith.constant 128 : i32
    %dma_wait3A_291 = tpu.memref_slice %arg4[%add3A_94, %dma_wait3A_290] : memref<16384x1024xf32, #tpu.memory_space<hbm>> -> memref<32x896xf32, #tpu.memory_space<hbm>>
    %dma_wait3A_292 = arith.constant 128 : i32
    %dma_wait3A_293 = tpu.memref_slice %arg4[%add3A_94, %dma_wait3A_292] : memref<16384x1024xf32, #tpu.memory_space<hbm>> -> memref<32x896xf32, #tpu.memory_space<hbm>>
    tpu.wait_dma2 semaphore(%arg15 : memref<!tpu.dma_semaphore, #tpu.memory_space<semaphore_mem>>) src(%arg9 : memref<32x896xf32, #tpu.memory_space<vmem>>) dst(%dma_wait3A_293 : memref<32x896xf32, #tpu.memory_space<hbm>>)
    %dma_wait3A_294 = arith.constant 128 : i32
    %dma_wait3A_295 = tpu.memref_slice %arg4[%add3A_100, %dma_wait3A_294] : memref<16384x1024xf32, #tpu.memory_space<hbm>> -> memref<32x896xf32, #tpu.memory_space<hbm>>
    %dma_wait3A_296 = arith.constant 128 : i32
    %dma_wait3A_297 = tpu.memref_slice %arg4[%add3A_100, %dma_wait3A_296] : memref<16384x1024xf32, #tpu.memory_space<hbm>> -> memref<32x896xf32, #tpu.memory_space<hbm>>
    tpu.wait_dma2 semaphore(%arg15 : memref<!tpu.dma_semaphore, #tpu.memory_space<semaphore_mem>>) src(%arg9 : memref<32x896xf32, #tpu.memory_space<vmem>>) dst(%dma_wait3A_297 : memref<32x896xf32, #tpu.memory_space<hbm>>)
    %dma_wait3A_298 = arith.constant 128 : i32
    %dma_wait3A_299 = tpu.memref_slice %arg4[%add3A_106, %dma_wait3A_298] : memref<16384x1024xf32, #tpu.memory_space<hbm>> -> memref<32x896xf32, #tpu.memory_space<hbm>>
    %dma_wait3A_300 = arith.constant 128 : i32
    %dma_wait3A_301 = tpu.memref_slice %arg4[%add3A_106, %dma_wait3A_300] : memref<16384x1024xf32, #tpu.memory_space<hbm>> -> memref<32x896xf32, #tpu.memory_space<hbm>>
    tpu.wait_dma2 semaphore(%arg15 : memref<!tpu.dma_semaphore, #tpu.memory_space<semaphore_mem>>) src(%arg9 : memref<32x896xf32, #tpu.memory_space<vmem>>) dst(%dma_wait3A_301 : memref<32x896xf32, #tpu.memory_space<hbm>>)
    %dma_wait3A_302 = arith.constant 128 : i32
    %dma_wait3A_303 = tpu.memref_slice %arg4[%add3A_112, %dma_wait3A_302] : memref<16384x1024xf32, #tpu.memory_space<hbm>> -> memref<32x896xf32, #tpu.memory_space<hbm>>
    %dma_wait3A_304 = arith.constant 128 : i32
    %dma_wait3A_305 = tpu.memref_slice %arg4[%add3A_112, %dma_wait3A_304] : memref<16384x1024xf32, #tpu.memory_space<hbm>> -> memref<32x896xf32, #tpu.memory_space<hbm>>
    tpu.wait_dma2 semaphore(%arg15 : memref<!tpu.dma_semaphore, #tpu.memory_space<semaphore_mem>>) src(%arg9 : memref<32x896xf32, #tpu.memory_space<vmem>>) dst(%dma_wait3A_305 : memref<32x896xf32, #tpu.memory_space<hbm>>)
    return
  }
}

</mosaic_0001>

<sc_bundles>
// kernel: kernel.3.cloned.1.call-start
scs
__scs_entry_jumppad:
0x0: {  	(pc) =	sbr.rel $0x88, $3  }
0x1: {  	(tag) =	ssettag $0x0;
	lr =	simm.s32 $0x1  }
0x2: {  	[smem:$0x3F9F] =	sst lr;
	_ =	strace $0xD0000000  }
0x3: {  	_ = 	snop  }
0x4: {  	_ = 	snop  }
0x5: {  	_ = 	snop  }
0x6: {  	_ = 	snop  }
0x7: {  	_ = 	snop  }
__scs_overlays_trampoline_lowered:
0x8: {  	[smem:$0x3FAE] =	sst s0  }
0x9: {  	[smem:$0x3FAF] =	sst s1  }
0xa: {  	[smem:$0x3FB0] =	sst s2  }
0xb: {  	[smem:$0x3FB1] =	sst s3  }
0xc: {  	[smem:$0x3FB2] =	sst s4  }
0xd: {  	[smem:$0x3FB3] =	sst s5  }
0xe: {  	[smem:$0x3FB4] =	sst s6  }
0xf: {  	[smem:$0x3FB5] =	sst s7  }
0x10: {  	[smem:$0x3FB6] =	sst s8  }
0x11: {  	[smem:$0x3FB7] =	sst s9;
	s0 =	simm.s32 @!p0 $0x0  }
0x12: {  	s1 =	sld [smem:$0x3F9D];
	s0 =	simm.s32 @p0 $0x1  }
0x13: {  	[smem:$0x3FB8] =	sst s0;
	s0 =	simm.s32 @!p1 $0x0  }
0x14: {  	s2 =	sld [smem:$0x3F9C];
	s0 =	simm.s32 @p1 $0x1  }
0x15: {  	[smem:$0x3FB9] =	sst s0;
	s0 =	simm.s32 @!p2 $0x0  }
0x16: {  	s3 =	sld [smem:$0x3FDB];
	s0 =	simm.s32 @p2 $0x1  }
0x17: {  	s4 =	simm.s32 $0x1BF5;
	[smem:$0x3FBB] =	sst s0  }
0x18: {  	s0 =	sld [smem:$0x3F9E];
	_ =	swait.ge [sflag:s4], $0x0  }
0x19: {  	s7 =	sld [smem:$0x3F9F]  }
0x1a: {  	s8 =	sadd.s32 $0xFFFFE003, lr  }
0x1b: {  	s9 =	sadd.s32 $0xFFFFFEF7, lr;
	s5 =	simm.s32 $0xFFFFFFFF;
	p2 =	slt.u32 s8, $0xFFFFF086  }
0x1c: {  	p1 =	slt.u32 s9, $0xF7A;
	s5 =	simm.s32 @!p2 $0x0  }
0x1d: {  	s5 =	simm.s32 @p1 $0x1;
	p0 =	seq.s32 s7, s2  }
0x1e: {  	s7 =	smul.u32 @!p0 $0xF7A, s2;
	p2 =	seq.s32 @!p0 s5, $0x0  }
0x1f: {  	s9 =	smul.u32 $0xF7A, s1;
	s8 =	simm.s32 @!p0 $0x1BF5;
	p2 =	por !p2, p0  }
0x20: {  	[sflag:s8] =	ssyncset.s32 @!p0 $0xFFFFF086;
	s6 =	sadd.s32 @!p0 s3, s7;
	s7 =	simm.s32 @!p0 $0x108  }
0x21: {  	s3 =	sadd.s32 s3, s9;
	s6 =	sadd.s32 @!p0 $0x88, s6;
	s7 =	simm.s32 @p2 $0x1082  }
0x22: {  	[simem:s7], [sflag:s8] =	dma.local @!p0 [hbm:s6], $0xF7A  }
0x23: {  	s9 =	sor.u32 $0xD0000000, s2;
	s6 =	simm.s32 $0x108;
	_ =	swait.ge @!p0 [sflag:s8], $0x0  }
0x24: {  	s3 =	sadd.s32 $0x88, s3;
	s6 =	simm.s32 @!p1 $0x1082;
	[sflag:s4] =	ssyncset.s32 $0xFFFFF086  }
0x25: {  	[simem:s6], [sflag:s4] =	dma.local [hbm:s3], $0xF7A  }
0x26: {  	[smem:$0x3F9F] =	sst s1;
	(tag) =	ssettag s2;
	_ =	strace s9  }
0x27: {  	s1 =	sld [smem:$0x3FAF]  }
0x28: {  	s2 =	sld [smem:$0x3FB0]  }
0x29: {  	s4 =	sld [smem:$0x3FB2]  }
0x2a: {  	p0 =	seq.s32 s5, $0x0;
	s5 =	sld [smem:$0x3FB3]  }
0x2b: {  	s6 =	sld [smem:$0x3FB4]  }
0x2c: {  	s7 =	sld [smem:$0x3FB5]  }
0x2d: {  	s3 =	simm.s32 $0x108;
	s8 =	sld [smem:$0x3FB6]  }
0x2e: {  	s3 =	simm.s32 @!p0 $0x1082;
	s9 =	sld [smem:$0x3FB7]  }
0x2f: {  	lr =	sadd.s32 s0, s3;
	s0 =	sld [smem:$0x3FAE]  }
0x30: {  	s3 =	sld [smem:$0x3FB1]  }
0x31: {  	[smem:$0x3FBA] =	sst s10  }
0x32: {  	s10 =	sld [smem:$0x3FB8];
	_ =	sdelay $0x3  }
0x33: {  	p0 =	seq.s32 s10, $0x1;
	s10 =	sld [smem:$0x3FBA];
	_ =	sdelay $0x3  }
0x34: {  	[smem:$0x3FBA] =	sst s10  }
0x35: {  	s10 =	sld [smem:$0x3FB9];
	_ =	sdelay $0x3  }
0x36: {  	p1 =	seq.s32 s10, $0x1;
	s10 =	sld [smem:$0x3FBA];
	_ =	sdelay $0x3  }
0x37: {  	[smem:$0x3FBA] =	sst s10  }
0x38: {  	s10 =	sld [smem:$0x3FBB]  }
0x39: {  	_ = 	snop;
	(pc) =	sbr.ind lr, $3  }
0x3a: {  	_ = 	snop  }
0x3b: {  	_ = 	snop  }
0x3c: {  	p2 =	seq.s32 s10, $0x1;
	s10 =	sld [smem:$0x3FBA]  }
0x3d: {  	_ =	shalt  }
0x3e: {  	_ =	shalt  }
0x3f: {  	_ =	shalt  }
0x40: {  	_ =	shalt  }
0x41: {  	_ =	shalt  }
0x42: {  	_ =	shalt  }
0x43: {  	_ =	shalt  }
0x44: {  	_ =	shalt  }
0x45: {  	_ =	shalt  }
0x46: {  	_ =	shalt  }
0x47: {  	_ =	shalt  }
0x48: {  	_ =	shalt  }
0x49: {  	_ =	shalt  }
0x4a: {  	_ =	shalt  }
0x4b: {  	_ =	shalt  }
0x4c: {  	_ =	shalt  }
0x4d: {  	_ =	shalt  }
0x4e: {  	_ =	shalt  }
0x4f: {  	_ =	shalt  }
0x50: {  	_ =	shalt  }
0x51: {  	_ =	shalt  }
0x52: {  	_ =	shalt  }
0x53: {  	_ =	shalt  }
0x54: {  	_ =	shalt  }
0x55: {  	_ =	shalt  }
0x56: {  	_ =	shalt  }
0x57: {  	_ =	shalt  }
0x58: {  	_ =	shalt  }
0x59: {  	_ =	shalt  }
0x5a: {  	_ =	shalt  }
0x5b: {  	_ =	shalt  }
0x5c: {  	_ =	shalt  }
0x5d: {  	_ =	shalt  }
0x5e: {  	_ =	shalt  }
0x5f: {  	_ =	shalt  }
0x60: {  	_ =	shalt  }
0x61: {  	_ =	shalt  }
0x62: {  	_ =	shalt  }
0x63: {  	_ =	shalt  }
0x64: {  	_ =	shalt  }
0x65: {  	_ =	shalt  }
0x66: {  	_ =	shalt  }
0x67: {  	_ =	shalt  }
0x68: {  	_ =	shalt  }
0x69: {  	_ =	shalt  }
0x6a: {  	_ =	shalt  }
0x6b: {  	_ =	shalt  }
0x6c: {  	_ =	shalt  }
0x6d: {  	_ =	shalt  }
0x6e: {  	_ =	shalt  }
0x6f: {  	_ =	shalt  }
0x70: {  	_ =	shalt  }
0x71: {  	_ =	shalt  }
0x72: {  	_ =	shalt  }
0x73: {  	_ =	shalt  }
0x74: {  	_ =	shalt  }
0x75: {  	_ =	shalt  }
0x76: {  	_ =	shalt  }
0x77: {  	_ =	shalt  }
0x78: {  	_ =	shalt  }
0x79: {  	_ =	shalt  }
0x7a: {  	_ =	shalt  }
0x7b: {  	_ =	shalt  }
0x7c: {  	_ =	shalt  }
0x7d: {  	_ =	shalt  }
0x7e: {  	_ =	shalt  }
0x7f: {  	_ =	shalt  }
0x80: {  	_ =	shalt  }
0x81: {  	_ =	shalt  }
0x82: {  	_ =	shalt  }
0x83: {  	_ =	shalt  }
0x84: {  	_ =	shalt  }
0x85: {  	_ =	shalt  }
0x86: {  	_ =	shalt  }
0x87: {  	_ =	shalt  }
.Lfunc_end0:
.L_simem_size_0:
called_computation_lowered:
.L_overlay_start_0:
0x88: {  	s2 =	sld [smem:$0x3FD9]  }
0x89: {  	s3 =	sld [smem:$0x3FFE];
	_ =	sdelay $0x1  }
0x8a: {  	s1 =	srdreg.scid  }
0x8b: {  	s0 =	sand.u32 $0x1, s1  }
0x8c: {  	s18 =	sshll.u32 s0, $0xA;
	s2 =	sadd.s32 s3, s2  }
0x8d: {  	s2 =	sadd.s32 s2, s18  }
0x8e: {  	[smem:$0x3FC6] =	sst s2  }
0x8f: {  	_ = 	snop  }
0x90: {  	s2 =	sld [smem:$0x3FC9]  }
0x91: {  	s19 =	sld [smem:$0x3FC8]  }
0x92: {  	s4 =	sld [smem:$0x3FD0];
	(tm) =	ssettm $0x1  }
0x93: {  	s5 =	sld [smem:$0x3FFB];
	_ =	sdelay $0x3  }
0x94: {  	_ =	strace s5  }
0x95: {  	s5 =	sld [smem:$0x3FFC];
	_ =	sdelay $0x3  }
0x96: {  	_ =	strace s5  }
0x97: {  	s5 =	sld [smem:$0x3FFD];
	_ =	sdelay $0x3  }
0x98: {  	_ =	strace s5  }
0x99: {  	_ =	strace $0x8FFFFFFF  }
0x9a: {  	s20 =	sld [smem:$0x3FDB];
	_ =	sdelay $0x1  }
0x9b: {  	s6 =	simm.s32 $_scs_section_size  }
0x9c: {  	s7 =	simm.s32 $_size__tile_overlayer_lowered;
	s8 =	simm.s32 $_tile_overlayer_lowered  }
0x9d: {  	s23 =	simm.s32 $0x1BFF;
	s22 =	sshll.u32 s8, $0x1;
	s5 =	sadd.s32 s6, s20  }
0x9e: {  	s9 =	simm.s32 $0x0;
	s21 =	sshll.u32 s7, $0x1;
	s7 =	sadd.s32 s22, s5  }
0x9f: {  	[timem:s9], [sflag:s23] =	dma.local [hbm:s7], s21  }
0xa0: {  	_ =	swait.ge [sflag:s23], s21  }
0xa1: {  	s6 =	ssub.s32 $0x0, s21;
	[sflag:s23] =	ssyncset.done $0x0  }
0xa2: {  	[sflag:s23] =	ssyncadd.s32 s6;
	_ =	sdelay $0x1  }
0xa3: {  	s24 =	simm.s32 $0x1B8B  }
0xa4: {  	_ =	swait.ge [sflag:s24], $0x1  }
0xa5: {  	[sflag:s24] =	ssyncset.done $0x0  }
0xa6: {  	s25 =	simm.s32 $0x1B8E;
	[sflag:s24] =	ssyncadd.s32 $0xFFFFFFFF  }
0xa7: {  	s26 =	simm.s32 $execute0_lowered;
	[smem:$0x3FD2] =	sst s25  }
0xa8: {  	s6 =	sshll.u32 s26, $0x1;
	_ =	strace $0x80000046;
	[dreg:$0x1] =	wrdreg $0xFFFFFFFF  }
0xa9: {  	s28 =	simm.s32 $_size_execute0_lowered;
	s5 =	sadd.s32 s5, s6;
	[dreg:$0x0] =	wrdreg $0x0  }
0xaa: {  	s6 =	sshll.u32 s28, $0x1;
	[dreg:$0x2] =	wrdreg s5  }
0xab: {  	[dreg:$0x3] =	wrdreg s6  }
0xac: {  	[dreg:$0x4] =	wrdreg $0xC0  }
0xad: {  	_ =	task [dreg:s9], $0x5FFFF  }
0xae: {  	[dreg:$0x1] =	wrdreg $0xFFFFFFFF  }
0xaf: {  	[dreg:$0x0] =	wrdreg $0x60  }
0xb0: {  	[dreg:$0x2] =	wrdreg s2  }
0xb1: {  	[dreg:$0x3] =	wrdreg s19  }
0xb2: {  	[dreg:$0x4] =	wrdreg s4  }
0xb3: {  	[dreg:$0x5] =	wrdreg $0x9  }
0xb4: {  	_ =	task.clear_ibuf [dreg:s9], $0x6FFFF;
	_ =	strace $0x90000046  }
0xb5: {  	s29 =	simm.s32 $0x9;
	_ =	strace $0x80000048  }
0xb6: {  	_ =	swait.ge [sflag:s29], $0x1  }
0xb7: {  	[sflag:s29] =	ssyncadd.s32 $0xFFFFFFFF  }
0xb8: {  	_ =	strace $0x90000048  }
0xb9: {  	_ =	sfence  }
0xba: {  	s30 =	sld [smem:$0x0];
	_ =	sdelay $0x2  }
0xbb: {  	s31 =	sshll.u32 s1, $0xD;
	s1 =	sshrl.u32 s1, $0x2  }
0xbc: {  	s3 =	sand.u32 $0x4000, s31;
	s1 =	sadd.s32 s1, s30  }
0xbd: {  	s0 =	sor.u32 s3, s0;
	s1 =	sshll.u32 s1, $0x11  }
0xbe: {  	s0 =	sor.u32 s1, s0  }
0xbf: {  	s0 =	sadd.s32 $0x8F2B, s0  }
0xc0: {  	[sflag:s0] =	ssyncadd.remote.s32 $0x1  }
0xc1: {  	_ =	sfence.sel $0xFFFF  }
0xc2: {  	[dreg:$0x0] =	wrdreg $0xFFFFFFFF;
	(pc) =	sbr.abs _section_cstart, $3  }
0xc3: {  	[dreg:$0x1] =	wrdreg $0xFFFFFFFF  }
0xc4: {  	_ =	task.clear_ibuf [dreg:s9], $0x2FFFF;
	_ =	strace $0x9FFFFFFF  }
0xc5: {  	(tm) =	ssettm $0x7FFFFFFF  }
tec
execute0_lowered:
.L_overlay_start_1:
0x0: {  	(tag) =	ssettag $0x1  }
0x1: {  	s0 =	rddreg [dreg:$0x0]  }
0x2: {  	s1 =	rddreg [dreg:$0x2]  }
0x3: {  	s2 =	srdreg.scid;
	s5 =	stileid.u32  }
0x4: {  	s3 =	simm.s32 $0x0;
	s2 =	sand.u32 $0x1, s2;
	s5 =	sshll.u32 s5, $0x10  }
0x5: {  	[smem:$0x7FF] =	sst s3;
	s4 =	ssub.s32 $0x2, s2;
	s2 =	sshll.u32 s2, $0x14  }
0x6: {  	_ =	strace $0x80000047;
	s6 =	sshrl.u32 s4, $0x1;
	s2 =	sor.u32 s5, s2  }
0x7: {  	s4 =	ssub.s32 s4, s6;
	s5 =	sor.u32 $0x4000, s2;
	s13 =	sadd.s32 s0, s2  }
0x8: {  	s6 =	sadd.s32 s1, s2;
	[dreg:$0x4] =	wrdreg s13;
	s14 =	sadd.s32 s0, s5  }
0x9: {  	s7 =	sadd.s32 $0x80, s6;
	[dreg:$0x5] =	wrdreg s14  }
0xa: {  	s15 =	sadd.s32 $0x1080, s6;
	[dreg:$0x6] =	wrdreg s7  }
0xb: {  	s30 =	simm.s32 $0x400;
	s16 =	sadd.s32 $0x2080, s6;
	[dreg:$0x7] =	wrdreg s15  }
0xc: {  	s31 =	simm.s32 $0x2000;
	s17 =	sadd.s32 $0x3080, s6;
	[dreg:$0x8] =	wrdreg s16  }
0xd: {  	s9 =	simm.s32 $0xC000;
	s18 =	sadd.s32 $0x4080, s6;
	[dreg:$0x9] =	wrdreg s17  }
0xe: {  	s10 =	simm.s32 $0x3;
	s19 =	sadd.s32 $0x5080, s6;
	[dreg:$0xa] =	wrdreg s18  }
0xf: {  	s11 =	simm.s32 $0x4;
	s20 =	sadd.s32 $0x6080, s6;
	[dreg:$0xb] =	wrdreg s19  }
0x10: {  	s12 =	simm.s32 $0x5;
	s21 =	sadd.s32 $0x7080, s6;
	[dreg:$0xc] =	wrdreg s20  }
0x11: {  	s25 =	sor.u32 $0x8000, s2;
	s22 =	sadd.s32 $0x8080, s6;
	[dreg:$0xd] =	wrdreg s21  }
0x12: {  	s2 =	sor.u32 $0xC000, s2;
	s23 =	sadd.s32 $0x9080, s6;
	[dreg:$0xe] =	wrdreg s22  }
0x13: {  	s24 =	sadd.s32 $0xA080, s6;
	s8 =	sadd.s32 $0xB080, s6;
	[dreg:$0xf] =	wrdreg s23  }
0x14: {  	s26 =	sadd.s32 s0, s25;
	s28 =	sadd.s32 $0xE080, s6;
	[dreg:$0x10] =	wrdreg s24  }
0x15: {  	s29 =	sadd.s32 $0xF080, s6;
	s13 =	simm.s32 $0x0;
	[dreg:$0x11] =	wrdreg s8  }
0x16: {  	[dreg:$0x12] =	wrdreg s26;
	s20 =	sadd.s32 s1, s5;
	s21 =	sadd.s32 s0, s2  }
0x17: {  	s22 =	sadd.s32 s1, s25;
	s23 =	sadd.s32 s1, s2;
	s24 =	sadd.s32 $0xC080, s6  }
0x18: {  	s25 =	smax.u32 s4, $0x1;
	s26 =	sadd.s32 $0xD080, s6;
	s0 =	simm.s32 $0x4000  }
0x19: {  	s1 =	simm.s32 $0x6;
	s2 =	simm.s32 $0x1C00;
	s4 =	simm.s32 $0x10000  }
0x1a: {  	v0 =	vimm.f32 $0.0e+00;
	s5 =	simm.s32 $0x1;
	s7 =	simm.s32 $0x8000;
	s8 =	simm.s32 $0x2  }
.LBB2_1:
0x1b: {  	s14 =	rddreg [dreg:$0x4]  }
0x1c: {  	[tilespmem:s3], [sflag:$0x1] =	stream.strided.gather [hbm4b:s14+s30], $0x4000, s31, s30, $0x38;
	[tilespmem:$0x17080] =	vst v63  }
0x1d: {  	s15 =	rddreg [dreg:$0x5];
	s17 =	simm.s32 $0x0  }
0x1e: {  	[tilespmem:s0], [sflag:$0x2] =	stream.strided.gather [hbm4b:s15+s30], $0x4000, s31, s30, $0x38;
	[tilespmem:$0x17080] =	vst v63  }
0x1f: {  	s16 =	rddreg [dreg:$0x1];
	s14 =	smul.u32 $0x7000, s17;
	s15 =	simm.s32 $0x17000  }
0x20: {  	[tilespmem:s15], [sflag:$0x6] =	stream.linear.gather [hbm4b:s16+s3], $0x80, $0x38;
	[tilespmem:$0x17080] =	vst v63  }
0x21: {  	_ =	swait.ge [sflag:s1], $0x80  }
0x22: {  	s18 =	sand.u32 $0x380, s3;
	s14 =	sshra.s32 s14, $0x2;
	[sflag:s1] =	ssyncset.done $0x0  }
0x23: {  	s14 =	sor.u32 s18, s14;
	[sflag:s1] =	ssyncadd.s32 $0xFFFFFF80  }
0x24: {  	s15 =	sadd.s32 $0x10000, s14;
	[tilespmem:s14+$0x10000] =	vst v0  }
0x25: {  	[tilespmem:s15+$0x60] =	vst v0  }
0x26: {  	[tilespmem:s15+$0x70] =	vst v0  }
0x27: {  	[tilespmem:s15+$0x50] =	vst v0  }
0x28: {  	[tilespmem:s15+$0x40] =	vst v0  }
0x29: {  	[tilespmem:s15+$0x30] =	vst v0  }
0x2a: {  	[tilespmem:s15+$0x20] =	vst v0  }
0x2b: {  	[tilespmem:s15+$0x10] =	vst v0  }
0x2c: {  	s19 =	sadd.s32 $0x10400, s14;
	[tilespmem:s14+$0x10400] =	vst v0  }
0x2d: {  	[tilespmem:s19+$0x70] =	vst v0  }
0x2e: {  	[tilespmem:s19+$0x60] =	vst v0  }
0x2f: {  	[tilespmem:s19+$0x50] =	vst v0  }
0x30: {  	[tilespmem:s19+$0x40] =	vst v0  }
0x31: {  	[tilespmem:s19+$0x30] =	vst v0  }
0x32: {  	[tilespmem:s19+$0x20] =	vst v0  }
0x33: {  	s16 =	sadd.s32 $0x10800, s14;
	[tilespmem:s19+$0x10] =	vst v0  }
0x34: {  	[tilespmem:s16+$0x70] =	vst v0  }
0x35: {  	[tilespmem:s16+$0x60] =	vst v0  }
0x36: {  	[tilespmem:s14+$0x10800] =	vst v0  }
0x37: {  	[tilespmem:s16+$0x50] =	vst v0  }
0x38: {  	[tilespmem:s16+$0x40] =	vst v0  }
0x39: {  	[tilespmem:s16+$0x30] =	vst v0  }
0x3a: {  	[tilespmem:s16+$0x20] =	vst v0  }
0x3b: {  	s17 =	sadd.s32 $0x10C00, s14;
	[tilespmem:s16+$0x10] =	vst v0  }
0x3c: {  	[tilespmem:s17+$0x70] =	vst v0  }
0x3d: {  	[tilespmem:s17+$0x60] =	vst v0  }
0x3e: {  	[tilespmem:s17+$0x50] =	vst v0  }
0x3f: {  	[tilespmem:s14+$0x10C00] =	vst v0  }
0x40: {  	[tilespmem:s17+$0x40] =	vst v0  }
0x41: {  	[tilespmem:s17+$0x30] =	vst v0  }
0x42: {  	[tilespmem:s17+$0x20] =	vst v0  }
0x43: {  	s18 =	sadd.s32 $0x11000, s14;
	[tilespmem:s17+$0x10] =	vst v0  }
0x44: {  	[tilespmem:s18+$0x70] =	vst v0  }
0x45: {  	[tilespmem:s18+$0x50] =	vst v0  }
0x46: {  	[tilespmem:s14+$0x11000] =	vst v0  }
0x47: {  	[tilespmem:s18+$0x60] =	vst v0  }
0x48: {  	[tilespmem:s18+$0x40] =	vst v0  }
0x49: {  	[tilespmem:s18+$0x30] =	vst v0  }
0x4a: {  	[tilespmem:s18+$0x20] =	vst v0  }
0x4b: {  	s19 =	sadd.s32 $0x11400, s14;
	[tilespmem:s18+$0x10] =	vst v0  }
0x4c: {  	[tilespmem:s19+$0x60] =	vst v0  }
0x4d: {  	[tilespmem:s19+$0x70] =	vst v0  }
0x4e: {  	[tilespmem:s19+$0x50] =	vst v0  }
0x4f: {  	[tilespmem:s14+$0x11400] =	vst v0  }
0x50: {  	[tilespmem:s19+$0x40] =	vst v0  }
0x51: {  	[tilespmem:s19+$0x30] =	vst v0  }
0x52: {  	[tilespmem:s19+$0x10] =	vst v0  }
0x53: {  	s17 =	sadd.s32 $0x11800, s14;
	[tilespmem:s19+$0x20] =	vst v0  }
0x54: {  	[tilespmem:s17+$0x70] =	vst v0  }
0x55: {  	[tilespmem:s17+$0x40] =	vst v0  }
0x56: {  	s15 =	simm.s32 $0x0;
	s16 =	simm.s32 $0x1;
	[tilespmem:s17+$0x60] =	vst v0  }
.LBB2_2:
0x57: {  	s19 =	sshrl.u32 s16, $0x3  }
0x58: {  	[tilespmem:s14+$0x11800] =	vst v0;
	s15 =	sadd.s32 $0x80, s15;
	s14 =	smov.u32 s16;
	s18 =	sadd.s32 $0x1, s16  }
0x59: {  	p0 =	sne.s32 s16, $0x1F;
	s14 =	smul.u32 $0x7000, s19;
	[tilespmem:s17+$0x20] =	vst v0  }
0x5a: {  	[tilespmem:s17+$0x30] =	vst v0  }
0x5b: {  	s16 =	sand.u32 $0x380, s15;
	s14 =	sshra.s32 s14, $0x2;
	[tilespmem:s17+$0x10] =	vst v0  }
0x5c: {  	s14 =	sor.u32 s16, s14;
	[tilespmem:s17+$0x50] =	vst v0  }
0x5d: {  	s16 =	sadd.s32 $0x10000, s14;
	[tilespmem:s14+$0x10000] =	vst v0  }
0x5e: {  	[tilespmem:s16+$0x60] =	vst v0  }
0x5f: {  	[tilespmem:s16+$0x70] =	vst v0  }
0x60: {  	[tilespmem:s16+$0x50] =	vst v0  }
0x61: {  	[tilespmem:s16+$0x30] =	vst v0  }
0x62: {  	[tilespmem:s16+$0x20] =	vst v0  }
0x63: {  	[tilespmem:s16+$0x40] =	vst v0  }
0x64: {  	[tilespmem:s16+$0x10] =	vst v0  }
0x65: {  	s16 =	sadd.s32 $0x10400, s14;
	[tilespmem:s14+$0x10400] =	vst v0  }
0x66: {  	[tilespmem:s16+$0x70] =	vst v0  }
0x67: {  	[tilespmem:s16+$0x60] =	vst v0  }
0x68: {  	[tilespmem:s16+$0x30] =	vst v0  }
0x69: {  	[tilespmem:s16+$0x20] =	vst v0  }
0x6a: {  	[tilespmem:s16+$0x50] =	vst v0  }
0x6b: {  	[tilespmem:s16+$0x10] =	vst v0  }
0x6c: {  	[tilespmem:s16+$0x40] =	vst v0;
	s16 =	sadd.s32 $0x10800, s14  }
0x6d: {  	[tilespmem:s16+$0x70] =	vst v0  }
0x6e: {  	[tilespmem:s16+$0x60] =	vst v0  }
0x6f: {  	[tilespmem:s14+$0x10800] =	vst v0  }
0x70: {  	[tilespmem:s16+$0x30] =	vst v0  }
0x71: {  	[tilespmem:s16+$0x50] =	vst v0  }
0x72: {  	[tilespmem:s16+$0x20] =	vst v0  }
0x73: {  	[tilespmem:s16+$0x10] =	vst v0  }
0x74: {  	[tilespmem:s16+$0x40] =	vst v0;
	s16 =	sadd.s32 $0x10C00, s14  }
0x75: {  	[tilespmem:s16+$0x70] =	vst v0  }
0x76: {  	[tilespmem:s16+$0x60] =	vst v0  }
0x77: {  	[tilespmem:s16+$0x50] =	vst v0  }
0x78: {  	[tilespmem:s14+$0x10C00] =	vst v0  }
0x79: {  	[tilespmem:s16+$0x30] =	vst v0  }
0x7a: {  	[tilespmem:s16+$0x20] =	vst v0  }
0x7b: {  	[tilespmem:s16+$0x10] =	vst v0  }
0x7c: {  	[tilespmem:s16+$0x40] =	vst v0;
	s16 =	sadd.s32 $0x11000, s14  }
0x7d: {  	[tilespmem:s16+$0x70] =	vst v0  }
0x7e: {  	[tilespmem:s16+$0x50] =	vst v0  }
0x7f: {  	[tilespmem:s14+$0x11000] =	vst v0  }
0x80: {  	[tilespmem:s16+$0x30] =	vst v0  }
0x81: {  	[tilespmem:s16+$0x60] =	vst v0  }
0x82: {  	[tilespmem:s16+$0x20] =	vst v0  }
0x83: {  	[tilespmem:s16+$0x10] =	vst v0  }
0x84: {  	[tilespmem:s16+$0x40] =	vst v0;
	s16 =	sadd.s32 $0x11400, s14  }
0x85: {  	[tilespmem:s16+$0x60] =	vst v0  }
0x86: {  	[tilespmem:s16+$0x70] =	vst v0  }
0x87: {  	[tilespmem:s16+$0x50] =	vst v0  }
0x88: {  	[tilespmem:s14+$0x11400] =	vst v0  }
0x89: {  	[tilespmem:s16+$0x30] =	vst v0  }
0x8a: {  	[tilespmem:s16+$0x10] =	vst v0  }
.Ltmp0:
0x8b: {  	[tilespmem:s16+$0x20] =	vst v0;
	(pc) =	sbr.rel @p0 .LBB2_2-.Ltmp0, $4  }
0x8c: {  	s17 =	sadd.s32 $0x11800, s14;
	[tilespmem:s16+$0x40] =	vst v0  }
0x8d: {  	[tilespmem:s17+$0x70] =	vst v0  }
0x8e: {  	[tilespmem:s17+$0x40] =	vst v0  }
0x8f: {  	s16 =	smov.u32 s18;
	[tilespmem:s17+$0x60] =	vst v0  }
0x90: {  	[tilespmem:s14+$0x11800] =	vst v0  }
0x91: {  	[tilespmem:s17+$0x50] =	vst v0  }
0x92: {  	[tilespmem:s17+$0x20] =	vst v0  }
0x93: {  	[tilespmem:s17+$0x30] =	vst v0  }
0x94: {  	s18 =	rddreg [dreg:$0x6];
	[tilespmem:s17+$0x10] =	vst v0  }
0x95: {  	[hbm4b:s18+s2] =	stream.strided.scatter [tilespmem:s4], [sflag:$0x5], $0x7000, s31, s2, $0x38;
	[tilespmem:$0x17080] =	vst v63  }
0x96: {  	s19 =	rddreg [dreg:$0x7]  }
0x97: {  	[hbm4b:s19+s2] =	stream.strided.scatter [tilespmem:s4], [sflag:$0x5], $0x7000, s31, s2, $0x38;
	[tilespmem:$0x17080] =	vst v63  }
0x98: {  	s15 =	rddreg [dreg:$0x8]  }
0x99: {  	[hbm4b:s15+s2] =	stream.strided.scatter [tilespmem:s4], [sflag:$0x5], $0x7000, s31, s2, $0x38;
	[tilespmem:$0x17080] =	vst v63  }
0x9a: {  	s16 =	rddreg [dreg:$0x9]  }
0x9b: {  	[hbm4b:s16+s2] =	stream.strided.scatter [tilespmem:s4], [sflag:$0x5], $0x7000, s31, s2, $0x38;
	[tilespmem:$0x17080] =	vst v63  }
0x9c: {  	s17 =	rddreg [dreg:$0xa]  }
0x9d: {  	[hbm4b:s17+s2] =	stream.strided.scatter [tilespmem:s4], [sflag:$0x5], $0x7000, s31, s2, $0x38;
	[tilespmem:$0x17080] =	vst v63  }
0x9e: {  	s18 =	rddreg [dreg:$0xb]  }
0x9f: {  	[hbm4b:s18+s2] =	stream.strided.scatter [tilespmem:s4], [sflag:$0x5], $0x7000, s31, s2, $0x38;
	[tilespmem:$0x17080] =	vst v63  }
0xa0: {  	s19 =	rddreg [dreg:$0xc]  }
0xa1: {  	[hbm4b:s19+s2] =	stream.strided.scatter [tilespmem:s4], [sflag:$0x5], $0x7000, s31, s2, $0x38;
	[tilespmem:$0x17080] =	vst v63  }
0xa2: {  	s15 =	rddreg [dreg:$0xd]  }
0xa3: {  	[hbm4b:s15+s2] =	stream.strided.scatter [tilespmem:s4], [sflag:$0x5], $0x7000, s31, s2, $0x38;
	[tilespmem:$0x17080] =	vst v63  }
0xa4: {  	s16 =	rddreg [dreg:$0xe]  }
0xa5: {  	[hbm4b:s16+s2] =	stream.strided.scatter [tilespmem:s4], [sflag:$0x5], $0x7000, s31, s2, $0x38;
	[tilespmem:$0x17080] =	vst v63  }
0xa6: {  	s17 =	rddreg [dreg:$0xf]  }
0xa7: {  	[hbm4b:s17+s2] =	stream.strided.scatter [tilespmem:s4], [sflag:$0x5], $0x7000, s31, s2, $0x38;
	[tilespmem:$0x17080] =	vst v63  }
0xa8: {  	s18 =	rddreg [dreg:$0x10]  }
0xa9: {  	[hbm4b:s18+s2] =	stream.strided.scatter [tilespmem:s4], [sflag:$0x5], $0x7000, s31, s2, $0x38;
	[tilespmem:$0x17080] =	vst v63  }
0xaa: {  	s19 =	rddreg [dreg:$0x11]  }
0xab: {  	[hbm4b:s19+s2] =	stream.strided.scatter [tilespmem:s4], [sflag:$0x5], $0x7000, s31, s2, $0x38;
	[tilespmem:$0x17080] =	vst v63  }
0xac: {  	_ = 	snop  }
0xad: {  	[hbm4b:s24+s2] =	stream.strided.scatter [tilespmem:s4], [sflag:$0x5], $0x7000, s31, s2, $0x38;
	[tilespmem:$0x17080] =	vst v63  }
0xae: {  	_ = 	snop  }
0xaf: {  	[hbm4b:s26+s2] =	stream.strided.scatter [tilespmem:s4], [sflag:$0x5], $0x7000, s31, s2, $0x38;
	[tilespmem:$0x17080] =	vst v63  }
0xb0: {  	_ = 	snop  }
0xb1: {  	[hbm4b:s28+s2] =	stream.strided.scatter [tilespmem:s4], [sflag:$0x5], $0x7000, s31, s2, $0x38;
	[tilespmem:$0x17080] =	vst v63  }
0xb2: {  	s14 =	simm.s32 $0x0;
	s15 =	simm.s32 $0x200  }
0xb3: {  	[hbm4b:s29+s2] =	stream.strided.scatter [tilespmem:s4], [sflag:$0x5], $0x7000, s31, s2, $0x38;
	[tilespmem:$0x17080] =	vst v63  }
.LBB2_4:
0xb4: {  	p0 =	sne.s32 s15, $0xFE00;
	[tilespmem:s14+$0xC070] =	vst v0  }
0xb5: {  	[tilespmem:s14+$0x8040] =	vst v0  }
0xb6: {  	[tilespmem:s14+$0xC040] =	vst v0  }
.Ltmp1:
0xb7: {  	[tilespmem:s14+$0x8050] =	vst v0;
	(pc) =	sbr.rel @p0 .LBB2_4-.Ltmp1, $4  }
0xb8: {  	[tilespmem:s14+$0xC050] =	vst v0  }
0xb9: {  	[tilespmem:s14+$0x8060] =	vst v0  }
0xba: {  	[tilespmem:s14+$0xC060] =	vst v0  }
0xbb: {  	[tilespmem:s14+$0x8070] =	vst v0;
	s14 =	sshra.s32 s15, $0x2;
	s15 =	sadd.s32 $0x200, s15  }
0xbc: {  	[tilespmem:s14+$0xC070] =	vst v0  }
0xbd: {  	[tilespmem:s14+$0x8040] =	vst v0  }
0xbe: {  	[tilespmem:s14+$0xC040] =	vst v0  }
0xbf: {  	[tilespmem:s14+$0x8050] =	vst v0  }
0xc0: {  	[tilespmem:s14+$0xC050] =	vst v0  }
0xc1: {  	[tilespmem:s14+$0x8060] =	vst v0  }
0xc2: {  	[tilespmem:s14+$0xC060] =	vst v0  }
0xc3: {  	[tilespmem:s14+$0x8070] =	vst v0  }
0xc4: {  	v4 =	vld [tilespmem:$0x17000]  }
0xc5: {  	v2 =	vld [tilespmem:$0x17010]  }
0xc6: {  	v1 =	vld [tilespmem:$0x17020]  }
0xc7: {  	v7 =	vld [tilespmem:$0x17030]  }
0xc8: {  	v6 =	vld [tilespmem:$0x17040]  }
0xc9: {  	v5 =	vld [tilespmem:$0x17050]  }
0xca: {  	v3 =	vld [tilespmem:$0x17060]  }
0xcb: {  	v8 =	vld [tilespmem:$0x17070];
	_ =	swait.ge [sflag:s5], $0x4000  }
0xcc: {  	[sflag:s5] =	ssyncset.done $0x0  }
0xcd: {  	s14 =	simm.s32 $0x0;
	[sflag:s5] =	ssyncadd.s32 $0xFFFFC000  }
0xce: {  	v10 =	vld [tilespmem:s14+$0x30]  }
0xcf: {  	v11 =	vld [tilespmem:s14+$0x70]  }
0xd0: {  	v14 =	vld [tilespmem:s14+$0x0]  }
0xd1: {  	v15 =	vld [tilespmem:s14+$0x40]  }
0xd2: {  	v12 =	vld [tilespmem:s14+$0x10]  }
0xd3: {  	v13 =	vld [tilespmem:s14+$0x50]  }
0xd4: {  	v9 =	vld [tilespmem:s14+$0x20];
	v16 =	vmul.f32 v10, v7;
	v17 =	vmul.f32 v11, v8  }
0xd5: {  	s15 =	simm.s32 $0x80;
	v11 =	vld [tilespmem:s14+$0x60]  }
0xd6: {  	s16 =	simm.s32 $0x400;
	v14 =	vmul.f32 v14, v4;
	v10 =	vld [tilespmem:s15+$0x30];
	v15 =	vmul.f32 v15, v6;
	v16 =	vadd.f32 v17, v16  }
.LBB2_6:
0xd7: {  	p0 =	sne.s32 s16, $0xFE00;
	v17 =	vld [tilespmem:s15+$0x70];
	v18 =	vmul.f32 v12, v2  }
0xd8: {  	v19 =	vld [tilespmem:s15+$0x0];
	v14 =	vadd.f32 v15, v14;
	v13 =	vmul.f32 v13, v5;
	[tilespmem:s14+$0x8030] =	vst v16  }
0xd9: {  	v15 =	vld [tilespmem:s15+$0x40];
	v16 =	vmul.f32 v9, v1  }
.Ltmp2:
0xda: {  	v12 =	vld [tilespmem:s15+$0x10];
	[tilespmem:s14+$0x8000] =	vst v14;
	v14 =	vadd.f32 v13, v18;
	v11 =	vmul.f32 v11, v3;
	(pc) =	sbr.rel @p0 .LBB2_6-.Ltmp2, $4  }
0xdb: {  	v13 =	vld [tilespmem:s15+$0x50]  }
0xdc: {  	v18 =	vmul.f32 v10, v7;
	v9 =	vld [tilespmem:s15+$0x20];
	v17 =	vmul.f32 v17, v8;
	[tilespmem:s14+$0x8010] =	vst v14;
	v20 =	vadd.f32 v11, v16  }
0xdd: {  	s17 =	sshra.s32 s16, $0x2;
	v14 =	vmul.f32 v19, v4;
	v11 =	vld [tilespmem:s15+$0x60]  }
0xde: {  	s16 =	sadd.s32 $0x200, s16;
	v10 =	vld [tilespmem:s17+$0x30];
	v15 =	vmul.f32 v15, v6;
	v16 =	vadd.f32 v17, v18;
	[tilespmem:s14+$0x8020] =	vst v20;
	s14 =	smov.u32 s15;
	s15 =	smov.u32 s17  }
0xdf: {  	v17 =	vld [tilespmem:s15+$0x70]  }
0xe0: {  	v18 =	vld [tilespmem:s15+$0x0];
	v12 =	vmul.f32 v12, v2;
	[tilespmem:s14+$0x8030] =	vst v16;
	v14 =	vadd.f32 v15, v14;
	v13 =	vmul.f32 v13, v5  }
0xe1: {  	v15 =	vld [tilespmem:s15+$0x40]  }
0xe2: {  	v16 =	vld [tilespmem:s15+$0x10];
	[tilespmem:s14+$0x8000] =	vst v14;
	v12 =	vadd.f32 v13, v12  }
0xe3: {  	v13 =	vld [tilespmem:s15+$0x50]  }
0xe4: {  	v14 =	vld [tilespmem:s15+$0x20];
	[tilespmem:s14+$0x8010] =	vst v12  }
0xe5: {  	v12 =	vld [tilespmem:s15+$0x60]  }
0xe6: {  	v9 =	vmul.f32 v9, v1;
	v11 =	vmul.f32 v11, v3  }
0xe7: {  	v10 =	vmul.f32 v10, v7;
	v17 =	vmul.f32 v17, v8  }
0xe8: {  	v9 =	vadd.f32 v11, v9;
	v11 =	vmul.f32 v18, v4;
	v15 =	vmul.f32 v15, v6  }
0xe9: {  	v10 =	vadd.f32 v17, v10;
	v16 =	vmul.f32 v16, v2;
	v13 =	vmul.f32 v13, v5  }
0xea: {  	[tilespmem:s14+$0x8020] =	vst v9;
	v9 =	vadd.f32 v15, v11;
	v11 =	vmul.f32 v14, v1;
	v12 =	vmul.f32 v12, v3  }
0xeb: {  	[tilespmem:s15+$0x8030] =	vst v10;
	v10 =	vadd.f32 v13, v16  }
0xec: {  	[tilespmem:s15+$0x8000] =	vst v9;
	v9 =	vadd.f32 v12, v11  }
0xed: {  	[tilespmem:s15+$0x8010] =	vst v10  }
0xee: {  	[tilespmem:s15+$0x8020] =	vst v9  }
0xef: {  	[hbm4b:s6+s30] =	stream.strided.scatter [tilespmem:s7], [sflag:$0x3], $0x4000, s31, s30, $0x38;
	[tilespmem:$0x17080] =	vst v63  }
0xf0: {  	s18 =	simm.s32 $0x0;
	s19 =	rddreg [dreg:$0x12]  }
0xf1: {  	[tilespmem:s18], [sflag:$0x1] =	stream.strided.gather [hbm4b:s19+s30], $0x4000, s31, s30, $0x38;
	[tilespmem:$0x17080] =	vst v63  }
0xf2: {  	_ =	swait.ge [sflag:s8], $0x4000  }
0xf3: {  	[sflag:s8] =	ssyncset.done $0x0  }
0xf4: {  	s14 =	simm.s32 $0x0;
	[sflag:s8] =	ssyncadd.s32 $0xFFFFC000  }
0xf5: {  	v10 =	vld [tilespmem:s14+$0x4030]  }
0xf6: {  	v11 =	vld [tilespmem:s14+$0x4070]  }
0xf7: {  	v14 =	vld [tilespmem:s14+$0x4000]  }
0xf8: {  	v15 =	vld [tilespmem:s14+$0x4040]  }
0xf9: {  	v12 =	vld [tilespmem:s14+$0x4010]  }
0xfa: {  	v13 =	vld [tilespmem:s14+$0x4050]  }
0xfb: {  	v9 =	vld [tilespmem:s14+$0x4020];
	v16 =	vmul.f32 v10, v7;
	v17 =	vmul.f32 v11, v8  }
0xfc: {  	s15 =	simm.s32 $0x80;
	v11 =	vld [tilespmem:s14+$0x4060]  }
0xfd: {  	s16 =	simm.s32 $0x400;
	v14 =	vmul.f32 v14, v4;
	v10 =	vld [tilespmem:s15+$0x4030];
	v15 =	vmul.f32 v15, v6;
	v16 =	vadd.f32 v17, v16  }
.LBB2_8:
0xfe: {  	p0 =	sne.s32 s16, $0xFE00;
	v17 =	vld [tilespmem:s15+$0x4070];
	v18 =	vmul.f32 v12, v2  }
0xff: {  	v19 =	vld [tilespmem:s15+$0x4000];
	v14 =	vadd.f32 v15, v14;
	v13 =	vmul.f32 v13, v5;
	[tilespmem:s14+$0xC030] =	vst v16  }
0x100: {  	v15 =	vld [tilespmem:s15+$0x4040];
	v16 =	vmul.f32 v9, v1  }
.Ltmp3:
0x101: {  	v12 =	vld [tilespmem:s15+$0x4010];
	[tilespmem:s14+$0xC000] =	vst v14;
	v14 =	vadd.f32 v13, v18;
	v11 =	vmul.f32 v11, v3;
	(pc) =	sbr.rel @p0 .LBB2_8-.Ltmp3, $4  }
0x102: {  	v13 =	vld [tilespmem:s15+$0x4050]  }
0x103: {  	v18 =	vmul.f32 v10, v7;
	v9 =	vld [tilespmem:s15+$0x4020];
	v17 =	vmul.f32 v17, v8;
	[tilespmem:s14+$0xC010] =	vst v14;
	v20 =	vadd.f32 v11, v16  }
0x104: {  	s17 =	sshra.s32 s16, $0x2;
	v14 =	vmul.f32 v19, v4;
	v11 =	vld [tilespmem:s15+$0x4060]  }
0x105: {  	s16 =	sadd.s32 $0x200, s16;
	v10 =	vld [tilespmem:s17+$0x4030];
	v15 =	vmul.f32 v15, v6;
	v16 =	vadd.f32 v17, v18;
	[tilespmem:s14+$0xC020] =	vst v20;
	s14 =	smov.u32 s15;
	s15 =	smov.u32 s17  }
0x106: {  	v17 =	vld [tilespmem:s15+$0x4070]  }
0x107: {  	v18 =	vld [tilespmem:s15+$0x4000];
	v12 =	vmul.f32 v12, v2;
	[tilespmem:s14+$0xC030] =	vst v16;
	v14 =	vadd.f32 v15, v14;
	v13 =	vmul.f32 v13, v5  }
0x108: {  	v15 =	vld [tilespmem:s15+$0x4040]  }
0x109: {  	v16 =	vld [tilespmem:s15+$0x4010];
	[tilespmem:s14+$0xC000] =	vst v14;
	v12 =	vadd.f32 v13, v12  }
0x10a: {  	v13 =	vld [tilespmem:s15+$0x4050]  }
0x10b: {  	v14 =	vld [tilespmem:s15+$0x4020];
	[tilespmem:s14+$0xC010] =	vst v12  }
0x10c: {  	v12 =	vld [tilespmem:s15+$0x4060]  }
0x10d: {  	v9 =	vmul.f32 v9, v1;
	v11 =	vmul.f32 v11, v3  }
0x10e: {  	v10 =	vmul.f32 v10, v7;
	v17 =	vmul.f32 v17, v8  }
0x10f: {  	v9 =	vadd.f32 v11, v9;
	v11 =	vmul.f32 v18, v4;
	v15 =	vmul.f32 v15, v6  }
0x110: {  	v10 =	vadd.f32 v17, v10;
	v16 =	vmul.f32 v16, v2;
	v13 =	vmul.f32 v13, v5  }
0x111: {  	[tilespmem:s14+$0xC020] =	vst v9;
	v9 =	vadd.f32 v15, v11;
	v11 =	vmul.f32 v14, v1;
	v12 =	vmul.f32 v12, v3  }
0x112: {  	[tilespmem:s15+$0xC030] =	vst v10;
	v10 =	vadd.f32 v13, v16  }
0x113: {  	[tilespmem:s15+$0xC000] =	vst v9;
	v9 =	vadd.f32 v12, v11  }
0x114: {  	[tilespmem:s15+$0xC010] =	vst v10  }
0x115: {  	[tilespmem:s15+$0xC020] =	vst v9  }
0x116: {  	[hbm4b:s20+s30] =	stream.strided.scatter [tilespmem:s9], [sflag:$0x4], $0x4000, s31, s30, $0x38;
	[tilespmem:$0x17080] =	vst v63  }
0x117: {  	_ = 	snop  }
0x118: {  	[tilespmem:s0], [sflag:$0x2] =	stream.strided.gather [hbm4b:s21+s30], $0x4000, s31, s30, $0x38;
	[tilespmem:$0x17080] =	vst v63  }
0x119: {  	_ =	swait.ge [sflag:s5], $0x4000  }
0x11a: {  	[sflag:s5] =	ssyncset.done $0x0  }
0x11b: {  	[sflag:s5] =	ssyncadd.s32 $0xFFFFC000  }
0x11c: {  	_ =	swait.ge [sflag:s10], $0x4000  }
0x11d: {  	[sflag:s10] =	ssyncset.done $0x0  }
0x11e: {  	s14 =	simm.s32 $0x0;
	[sflag:s10] =	ssyncadd.s32 $0xFFFFC000  }
0x11f: {  	v10 =	vld [tilespmem:s14+$0x30]  }
0x120: {  	v11 =	vld [tilespmem:s14+$0x70]  }
0x121: {  	v14 =	vld [tilespmem:s14+$0x0]  }
0x122: {  	v15 =	vld [tilespmem:s14+$0x40]  }
0x123: {  	v12 =	vld [tilespmem:s14+$0x10]  }
0x124: {  	v13 =	vld [tilespmem:s14+$0x50]  }
0x125: {  	v9 =	vld [tilespmem:s14+$0x20];
	v16 =	vmul.f32 v10, v7;
	v17 =	vmul.f32 v11, v8  }
0x126: {  	s15 =	simm.s32 $0x80;
	v11 =	vld [tilespmem:s14+$0x60]  }
0x127: {  	s16 =	simm.s32 $0x400;
	v14 =	vmul.f32 v14, v4;
	v10 =	vld [tilespmem:s15+$0x30];
	v15 =	vmul.f32 v15, v6;
	v16 =	vadd.f32 v17, v16  }
.LBB2_10:
0x128: {  	p0 =	sne.s32 s16, $0xFE00;
	v17 =	vld [tilespmem:s15+$0x70];
	v18 =	vmul.f32 v12, v2  }
0x129: {  	v19 =	vld [tilespmem:s15+$0x0];
	v14 =	vadd.f32 v15, v14;
	v13 =	vmul.f32 v13, v5;
	[tilespmem:s14+$0x8030] =	vst v16  }
0x12a: {  	v15 =	vld [tilespmem:s15+$0x40];
	v16 =	vmul.f32 v9, v1  }
.Ltmp4:
0x12b: {  	v12 =	vld [tilespmem:s15+$0x10];
	[tilespmem:s14+$0x8000] =	vst v14;
	v14 =	vadd.f32 v13, v18;
	v11 =	vmul.f32 v11, v3;
	(pc) =	sbr.rel @p0 .LBB2_10-.Ltmp4, $4  }
0x12c: {  	v13 =	vld [tilespmem:s15+$0x50]  }
0x12d: {  	v18 =	vmul.f32 v10, v7;
	v9 =	vld [tilespmem:s15+$0x20];
	v17 =	vmul.f32 v17, v8;
	[tilespmem:s14+$0x8010] =	vst v14;
	v20 =	vadd.f32 v11, v16  }
0x12e: {  	s17 =	sshra.s32 s16, $0x2;
	v14 =	vmul.f32 v19, v4;
	v11 =	vld [tilespmem:s15+$0x60]  }
0x12f: {  	s16 =	sadd.s32 $0x200, s16;
	v10 =	vld [tilespmem:s17+$0x30];
	v15 =	vmul.f32 v15, v6;
	v16 =	vadd.f32 v17, v18;
	[tilespmem:s14+$0x8020] =	vst v20;
	s14 =	smov.u32 s15;
	s15 =	smov.u32 s17  }
0x130: {  	v17 =	vld [tilespmem:s15+$0x70]  }
0x131: {  	v18 =	vld [tilespmem:s15+$0x0];
	v12 =	vmul.f32 v12, v2;
	[tilespmem:s14+$0x8030] =	vst v16;
	v14 =	vadd.f32 v15, v14;
	v13 =	vmul.f32 v13, v5  }
0x132: {  	v15 =	vld [tilespmem:s15+$0x40]  }
0x133: {  	v16 =	vld [tilespmem:s15+$0x10];
	[tilespmem:s14+$0x8000] =	vst v14;
	v12 =	vadd.f32 v13, v12  }
0x134: {  	v13 =	vld [tilespmem:s15+$0x50]  }
0x135: {  	v14 =	vld [tilespmem:s15+$0x20];
	[tilespmem:s14+$0x8010] =	vst v12  }
0x136: {  	v12 =	vld [tilespmem:s15+$0x60]  }
0x137: {  	v9 =	vmul.f32 v9, v1;
	v11 =	vmul.f32 v11, v3  }
0x138: {  	v10 =	vmul.f32 v10, v7;
	v17 =	vmul.f32 v17, v8  }
0x139: {  	v9 =	vadd.f32 v11, v9;
	v11 =	vmul.f32 v18, v4;
	v15 =	vmul.f32 v15, v6  }
0x13a: {  	v10 =	vadd.f32 v17, v10;
	v16 =	vmul.f32 v16, v2;
	v13 =	vmul.f32 v13, v5  }
0x13b: {  	[tilespmem:s14+$0x8020] =	vst v9;
	v9 =	vadd.f32 v15, v11;
	v11 =	vmul.f32 v14, v1;
	v12 =	vmul.f32 v12, v3  }
0x13c: {  	[tilespmem:s15+$0x8030] =	vst v10;
	v10 =	vadd.f32 v13, v16  }
0x13d: {  	[tilespmem:s15+$0x8000] =	vst v9;
	v9 =	vadd.f32 v12, v11  }
0x13e: {  	[tilespmem:s15+$0x8010] =	vst v10  }
0x13f: {  	[tilespmem:s15+$0x8020] =	vst v9  }
0x140: {  	[hbm4b:s22+s30] =	stream.strided.scatter [tilespmem:s7], [sflag:$0x3], $0x4000, s31, s30, $0x38;
	[tilespmem:$0x17080] =	vst v63  }
0x141: {  	_ =	swait.ge [sflag:s8], $0x4000  }
0x142: {  	[sflag:s8] =	ssyncset.done $0x0  }
0x143: {  	[sflag:s8] =	ssyncadd.s32 $0xFFFFC000  }
0x144: {  	_ =	swait.ge [sflag:s11], $0x4000  }
0x145: {  	[sflag:s11] =	ssyncset.done $0x0  }
0x146: {  	s14 =	simm.s32 $0x0;
	[sflag:s11] =	ssyncadd.s32 $0xFFFFC000  }
0x147: {  	v10 =	vld [tilespmem:s14+$0x4030]  }
0x148: {  	v11 =	vld [tilespmem:s14+$0x4070]  }
0x149: {  	v14 =	vld [tilespmem:s14+$0x4000]  }
0x14a: {  	v15 =	vld [tilespmem:s14+$0x4040]  }
0x14b: {  	v12 =	vld [tilespmem:s14+$0x4010]  }
0x14c: {  	v13 =	vld [tilespmem:s14+$0x4050]  }
0x14d: {  	v9 =	vld [tilespmem:s14+$0x4020];
	v16 =	vmul.f32 v10, v7;
	v17 =	vmul.f32 v11, v8  }
0x14e: {  	s15 =	simm.s32 $0x80;
	v11 =	vld [tilespmem:s14+$0x4060]  }
0x14f: {  	s16 =	simm.s32 $0x400;
	v14 =	vmul.f32 v14, v4;
	v10 =	vld [tilespmem:s15+$0x4030];
	v15 =	vmul.f32 v15, v6;
	v16 =	vadd.f32 v17, v16  }
.LBB2_12:
0x150: {  	p0 =	sne.s32 s16, $0xFE00;
	v17 =	vld [tilespmem:s15+$0x4070];
	v18 =	vmul.f32 v12, v2  }
0x151: {  	v19 =	vld [tilespmem:s15+$0x4000];
	v14 =	vadd.f32 v15, v14;
	v13 =	vmul.f32 v13, v5;
	[tilespmem:s14+$0xC030] =	vst v16  }
0x152: {  	v15 =	vld [tilespmem:s15+$0x4040];
	v16 =	vmul.f32 v9, v1  }
.Ltmp5:
0x153: {  	v12 =	vld [tilespmem:s15+$0x4010];
	[tilespmem:s14+$0xC000] =	vst v14;
	v14 =	vadd.f32 v13, v18;
	v11 =	vmul.f32 v11, v3;
	(pc) =	sbr.rel @p0 .LBB2_12-.Ltmp5, $4  }
0x154: {  	v13 =	vld [tilespmem:s15+$0x4050]  }
0x155: {  	v18 =	vmul.f32 v10, v7;
	v9 =	vld [tilespmem:s15+$0x4020];
	v17 =	vmul.f32 v17, v8;
	[tilespmem:s14+$0xC010] =	vst v14;
	v20 =	vadd.f32 v11, v16  }
0x156: {  	s17 =	sshra.s32 s16, $0x2;
	v14 =	vmul.f32 v19, v4;
	v11 =	vld [tilespmem:s15+$0x4060]  }
0x157: {  	s16 =	sadd.s32 $0x200, s16;
	v10 =	vld [tilespmem:s17+$0x4030];
	v15 =	vmul.f32 v15, v6;
	v16 =	vadd.f32 v17, v18;
	[tilespmem:s14+$0xC020] =	vst v20;
	s14 =	smov.u32 s15;
	s15 =	smov.u32 s17  }
0x158: {  	v17 =	vld [tilespmem:s15+$0x4070]  }
0x159: {  	v18 =	vld [tilespmem:s15+$0x4000];
	v12 =	vmul.f32 v12, v2;
	[tilespmem:s14+$0xC030] =	vst v16;
	v14 =	vadd.f32 v15, v14;
	v13 =	vmul.f32 v13, v5  }
0x15a: {  	v61 =	vld [tilespmem:s15+$0x4040]  }
0x15b: {  	v16 =	vld [tilespmem:s15+$0x4010];
	[tilespmem:s14+$0xC000] =	vst v14;
	v12 =	vadd.f32 v13, v12  }
0x15c: {  	v62 =	vld [tilespmem:s15+$0x4050]  }
0x15d: {  	v14 =	vld [tilespmem:s15+$0x4020];
	[tilespmem:s14+$0xC010] =	vst v12  }
0x15e: {  	v12 =	vld [tilespmem:s15+$0x4060]  }
0x15f: {  	v9 =	vmul.f32 v9, v1;
	v11 =	vmul.f32 v11, v3  }
0x160: {  	v7 =	vmul.f32 v10, v7;
	v8 =	vmul.f32 v17, v8  }
0x161: {  	v9 =	vadd.f32 v11, v9;
	v4 =	vmul.f32 v18, v4;
	v6 =	vmul.f32 v61, v6  }
0x162: {  	v7 =	vadd.f32 v8, v7;
	v2 =	vmul.f32 v16, v2;
	v63 =	vmul.f32 v62, v5  }
0x163: {  	[tilespmem:s14+$0xC020] =	vst v9;
	v4 =	vadd.f32 v6, v4;
	v1 =	vmul.f32 v14, v1;
	v3 =	vmul.f32 v12, v3  }
0x164: {  	[tilespmem:s15+$0xC030] =	vst v7;
	v2 =	vadd.f32 v63, v2  }
0x165: {  	[tilespmem:s15+$0xC000] =	vst v4;
	v1 =	vadd.f32 v3, v1  }
0x166: {  	[tilespmem:s15+$0xC010] =	vst v2  }
0x167: {  	[tilespmem:s15+$0xC020] =	vst v1  }
0x168: {  	[hbm4b:s23+s30] =	stream.strided.scatter [tilespmem:s9], [sflag:$0x4], $0x4000, s31, s30, $0x38;
	[tilespmem:$0x17080] =	vst v63  }
0x169: {  	_ =	swait.ge [sflag:s10], $0x4000  }
0x16a: {  	[sflag:s10] =	ssyncset.done $0x0  }
0x16b: {  	[sflag:s10] =	ssyncadd.s32 $0xFFFFC000  }
0x16c: {  	_ =	swait.ge [sflag:s11], $0x4000  }
0x16d: {  	[sflag:s11] =	ssyncset.done $0x0  }
0x16e: {  	[sflag:s11] =	ssyncadd.s32 $0xFFFFC000  }
0x16f: {  	_ =	swait.ge [sflag:s12], $0x7000  }
0x170: {  	[sflag:s12] =	ssyncset.done $0x0  }
0x171: {  	[sflag:s12] =	ssyncadd.s32 $0xFFFF9000  }
0x172: {  	_ =	swait.ge [sflag:s12], $0x7000  }
0x173: {  	[sflag:s12] =	ssyncset.done $0x0  }
0x174: {  	[sflag:s12] =	ssyncadd.s32 $0xFFFF9000  }
0x175: {  	_ =	swait.ge [sflag:s12], $0x7000  }
0x176: {  	[sflag:s12] =	ssyncset.done $0x0  }
0x177: {  	[sflag:s12] =	ssyncadd.s32 $0xFFFF9000  }
0x178: {  	_ =	swait.ge [sflag:s12], $0x7000  }
0x179: {  	[sflag:s12] =	ssyncset.done $0x0  }
0x17a: {  	[sflag:s12] =	ssyncadd.s32 $0xFFFF9000  }
0x17b: {  	_ =	swait.ge [sflag:s12], $0x7000  }
0x17c: {  	[sflag:s12] =	ssyncset.done $0x0  }
0x17d: {  	[sflag:s12] =	ssyncadd.s32 $0xFFFF9000  }
0x17e: {  	_ =	swait.ge [sflag:s12], $0x7000  }
0x17f: {  	[sflag:s12] =	ssyncset.done $0x0  }
0x180: {  	[sflag:s12] =	ssyncadd.s32 $0xFFFF9000  }
0x181: {  	_ =	swait.ge [sflag:s12], $0x7000  }
0x182: {  	[sflag:s12] =	ssyncset.done $0x0  }
0x183: {  	[sflag:s12] =	ssyncadd.s32 $0xFFFF9000  }
0x184: {  	_ =	swait.ge [sflag:s12], $0x7000  }
0x185: {  	[sflag:s12] =	ssyncset.done $0x0  }
0x186: {  	[sflag:s12] =	ssyncadd.s32 $0xFFFF9000  }
0x187: {  	_ =	swait.ge [sflag:s12], $0x7000  }
0x188: {  	[sflag:s12] =	ssyncset.done $0x0  }
0x189: {  	[sflag:s12] =	ssyncadd.s32 $0xFFFF9000  }
0x18a: {  	_ =	swait.ge [sflag:s12], $0x7000  }
0x18b: {  	[sflag:s12] =	ssyncset.done $0x0  }
0x18c: {  	[sflag:s12] =	ssyncadd.s32 $0xFFFF9000  }
0x18d: {  	_ =	swait.ge [sflag:s12], $0x7000  }
0x18e: {  	[sflag:s12] =	ssyncset.done $0x0  }
0x18f: {  	[sflag:s12] =	ssyncadd.s32 $0xFFFF9000  }
0x190: {  	_ =	swait.ge [sflag:s12], $0x7000  }
0x191: {  	[sflag:s12] =	ssyncset.done $0x0  }
0x192: {  	[sflag:s12] =	ssyncadd.s32 $0xFFFF9000  }
0x193: {  	_ =	swait.ge [sflag:s12], $0x7000  }
0x194: {  	[sflag:s12] =	ssyncset.done $0x0  }
0x195: {  	[sflag:s12] =	ssyncadd.s32 $0xFFFF9000  }
0x196: {  	_ =	swait.ge [sflag:s12], $0x7000  }
0x197: {  	[sflag:s12] =	ssyncset.done $0x0  }
0x198: {  	s13 =	sadd.s32 $0x1, s13;
	[sflag:s12] =	ssyncadd.s32 $0xFFFF9000  }
0x199: {  	p0 =	sne.s32 s13, s25;
	_ =	swait.ge [sflag:s12], $0x7000  }
.Ltmp6:
0x19a: {  	[sflag:s12] =	ssyncset.done $0x0;
	(pc) =	sbr.rel @p0 .LBB2_1-.Ltmp6, $4  }
0x19b: {  	[sflag:s12] =	ssyncadd.s32 $0xFFFF9000  }
0x19c: {  	_ =	swait.ge [sflag:s12], $0x7000  }
0x19d: {  	[sflag:s12] =	ssyncset.done $0x0  }
0x19e: {  	[sflag:s12] =	ssyncadd.s32 $0xFFFF9000  }
0x19f: {  	_ =	sfence.sel $0x180000  }
0x1a0: {  	[bflag:$0x0] =	sbarrier.arrive $0xFFFF  }
0x1a1: {  	_ =	strace $0x90000047  }
0x1a2: {  	s0 =	stileid.u32;
	[bflag:$0x2] =	sbarrier.arrive $0xFFFF  }
0x1a3: {  	p0 =	sne.s32 s0, $0x0;
	s0 =	rddreg [dreg:$0x3]  }
0x1a4: {  	s0 =	sadd.s32 @!p0 $0x100000, s0  }
0x1a5: {  	[sflag:s0] =	ssyncadd.tile.s32 @!p0 $0x1;
	_ =	shalt  }
.Lfunc_end2:
_tile_overlayer_lowered:
.L_overlay_start_2:
0x1a6: {  	(tag) =	ssettag $0x2  }
0x1a7: {  	s0 =	rddreg [dreg:$0x0];
	s2 =	stileid.u32  }
0x1a8: {  	s1 =	rddreg [dreg:$0x1];
	p0 =	sne.s32 s2, $0x0  }
0x1a9: {  	s3 =	rddreg [dreg:$0x2];
	[bflag:$0x3] =	sbarrier.arrive $0xFFFF;
	s2 =	simm.s32 @!p0 $0x1C06  }
0x1aa: {  	[timem:s3], [sflag:s2] =	dma.local @!p0 [hbm:s0], s1  }
0x1ab: {  	s0 =	simm.s32 @!p0 $0x6  }
0x1ac: {  	_ =	swait.ge @!p0 [sflag:s0], s1  }
0x1ad: {  	s1 =	ssub.s32 @!p0 $0x0, s1;
	[sflag:s0] =	ssyncset.done @!p0 $0x0  }
0x1ae: {  	[sflag:s0] =	ssyncadd.s32 @!p0 s1  }
0x1af: {  	[bflag:$0x3] =	sbarrier.arrive $0xFFFF  }
0x1b0: {  	_ =	shalt  }

</sc_bundles>
